<compile_context>
chip_gen: v7x
topology: tpu7x:2x2x1
jax: 0.10.2.dev20260603
libtpu: 0.0.44.dev20260713+nightly
codegen_flags: <defaults>
</compile_context>

<pallas_src>
import dataclasses
import functools

import jax
import jax.numpy as jnp
from jax import lax
from jax.experimental import pallas as pl
from jax.experimental.pallas import tpu as pltpu
from jax.experimental.pallas import tpu_sc as plsc

_NC = 2
_NS = 16
_NW = _NC * _NS
_LANES = 16
_CHUNK = 128
_NEG_SLOPE = 0.01


def _sc_mesh():
    return plsc.VectorSubcoreMesh(core_axis_name="c", subcore_axis_name="s")


def _sc_compiler_params():
    cp = pltpu.CompilerParams()
    if "needs_layout_passes" in pltpu.CompilerParams.__dataclass_fields__:
        cp = dataclasses.replace(cp, needs_layout_passes=False)
    return cp


def _sc_degree(idxm, np_, kw):

    @functools.partial(
        pl.kernel,
        out_type=jax.ShapeDtypeStruct((_NW, np_), jnp.float32),
        mesh=_sc_mesh(),
        compiler_params=_sc_compiler_params(),
        scratch_types=[
            pltpu.VMEM((1, _CHUNK), jnp.int32),
            pltpu.VMEM((np_,), jnp.float32),
        ],
    )
    def k(idxm_hbm, out_hbm, dstv, deg_local):
        c = lax.axis_index("c")
        s = lax.axis_index("s")
        w = s * _NC + c
        zero = jnp.zeros((_LANES,), jnp.float32)

        @pl.loop(0, np_, step=_LANES)
        def _(i):
            deg_local[pl.ds(i, _LANES)] = zero

        ones = jnp.ones((_LANES,), jnp.float32)

        @pl.loop(0, kw)
        def _(j):
            pltpu.sync_copy(idxm_hbm.at[(w * kw + j) * 2 + 1], dstv.at[0])

            @pl.loop(0, _CHUNK, step=_LANES)
            def _(t):
                idx = dstv[0, pl.ds(t, _LANES)]
                plsc.addupdate_scatter(deg_local, [idx], ones)

        pltpu.sync_copy(deg_local, out_hbm.at[w])

    return k(idxm)


def _sc_aggregate(ht, idxm, np_, kw):
    rt = np_ // _NS

    @functools.partial(
        pl.kernel,
        out_type=(jax.ShapeDtypeStruct((np_, 128), jnp.float32),
                  jax.ShapeDtypeStruct((np_, 128), jnp.float32)),
        mesh=_sc_mesh(),
        scratch_types=[
            pltpu.VMEM((2, _CHUNK), jnp.int32),
            pltpu.VMEM((_CHUNK, 128), jnp.float32),
            pltpu.VMEM_SHARED((np_, 128), jnp.float32),
            pltpu.SemaphoreType.DMA,
        ],
    )
    def k(ht_hbm, idxm_hbm, out0_hbm, out1_hbm, idx_v, rows, acc, sem):
        c = lax.axis_index("c")
        s = lax.axis_index("s")
        w = s * _NC + c
        zero = jnp.zeros((_LANES,), jnp.float32)

        @pl.loop(0, _CHUNK)
        def _(r):
            @pl.loop(0, 128, step=_LANES)
            def _(t):
                rows[r, pl.ds(t, _LANES)] = zero

        @pl.loop(0, rt, step=_CHUNK)
        def _(i):
            pltpu.sync_copy(rows, acc.at[pl.ds(s * rt + i, _CHUNK)])

        plsc.subcore_barrier()

        @pl.loop(0, kw)
        def _(j):
            pltpu.sync_copy(idxm_hbm.at[pl.ds((w * kw + j) * 2, 2)], idx_v)
            g = pltpu.make_async_copy(ht_hbm.at[idx_v.at[0]], rows, sem)
            g.start()
            g.wait()
            pltpu.async_copy(rows, acc.at[idx_v.at[1]], sem, add=True)
            pltpu.make_async_copy(rows, acc.at[idx_v.at[1]], sem).wait()

        plsc.subcore_barrier()

        @pl.when(c == 0)
        def _():
            pltpu.sync_copy(acc.at[pl.ds(s * rt, rt)], out0_hbm.at[pl.ds(s * rt, rt)])

        @pl.when(c == 1)
        def _():
            pltpu.sync_copy(acc.at[pl.ds(s * rt, rt)], out1_hbm.at[pl.ds(s * rt, rt)])

    return k(ht, idxm)


def _tc_dis(degp, np_):

    def body(deg_ref, out_ref):
        ssum = jnp.sum(deg_ref[...], axis=0, keepdims=True)
        r = lax.rsqrt(1.0 + ssum)
        rows = jnp.broadcast_to(r, (128, 128))
        eye = jnp.eye(128, dtype=jnp.float32)
        colmat = lax.dot_general(
            rows, eye, (((0,), (0,)), ((), ())),
            preferred_element_type=jnp.float32)
        out_ref[...] = colmat

    return pl.pallas_call(
        body,
        grid=(np_ // 128,),
        in_specs=[pl.BlockSpec((_NW, 128), lambda i: (0, i))],
        out_specs=pl.BlockSpec((128, 128), lambda i: (i, 0)),
        out_shape=jax.ShapeDtypeStruct((np_, 128), jnp.float32),
    )(degp)


_RB = 512


def _tc_matmul_scale(xp, W, disf, np_):

    def body(x_ref, w_ref, d_ref, o_ref):
        h = jnp.dot(x_ref[...], w_ref[...], preferred_element_type=jnp.float32)
        o_ref[...] = h * d_ref[...]

    return pl.pallas_call(
        body,
        grid=(np_ // _RB,),
        in_specs=[
            pl.BlockSpec((_RB, 128), lambda i: (i, 0)),
            pl.BlockSpec((128, 128), lambda i: (0, 0)),
            pl.BlockSpec((_RB, 128), lambda i: (i, 0)),
        ],
        out_specs=pl.BlockSpec((_RB, 128), lambda i: (i, 0)),
        out_shape=jax.ShapeDtypeStruct((np_, 128), jnp.float32),
    )(xp, W, disf)


def _tc_layer(p0, p1, ht, disf, b2, W, np_):

    def body(p0_ref, p1_ref, h_ref, d_ref, b_ref, w_ref, o_ref):
        y = d_ref[...] * (p0_ref[...] + p1_ref[...] + h_ref[...]) + b_ref[...]
        y = jnp.where(y >= 0, y, _NEG_SLOPE * y)
        h2 = jnp.dot(y, w_ref[...], preferred_element_type=jnp.float32)
        o_ref[...] = h2 * d_ref[...]

    row = pl.BlockSpec((_RB, 128), lambda i: (i, 0))
    return pl.pallas_call(
        body,
        grid=(np_ // _RB,),
        in_specs=[
            row, row, row, row,
            pl.BlockSpec((1, 128), lambda i: (0, 0)),
            pl.BlockSpec((128, 128), lambda i: (0, 0)),
        ],
        out_specs=row,
        out_shape=jax.ShapeDtypeStruct((np_, 128), jnp.float32),
    )(p0, p1, ht, disf, b2, W)


def _tc_final(p0, p1, ht, disf, b2, np_):

    def body(p0_ref, p1_ref, h_ref, d_ref, b_ref, o_ref):
        y = d_ref[...] * (p0_ref[...] + p1_ref[...] + h_ref[...]) + b_ref[...]
        o_ref[...] = jnp.where(y >= 0, y, _NEG_SLOPE * y)

    row = pl.BlockSpec((_RB, 128), lambda i: (i, 0))
    return pl.pallas_call(
        body,
        grid=(np_ // _RB,),
        in_specs=[row, row, row, row, pl.BlockSpec((1, 128), lambda i: (0, 0))],
        out_specs=row,
        out_shape=jax.ShapeDtypeStruct((np_, 128), jnp.float32),
    )(p0, p1, ht, disf, b2)


def kernel(x, edge_index, W1, b1, W2, b2, W3, b3, W4, b4):
    n, _ = x.shape
    e = edge_index.shape[1]
    np_ = -(-n // (_NS * _CHUNK)) * (_NS * _CHUNK)
    ew = -(-e // (_NW * _CHUNK)) * _CHUNK
    kw = ew // _CHUNK
    ep = ew * _NW

    src = edge_index[0]
    dst = edge_index[1]
    pad = ep - e
    srcp = jnp.concatenate([src, jnp.zeros((pad,), edge_index.dtype)])
    dstp = jnp.concatenate(
        [dst, jnp.full((pad,), np_ - 1, edge_index.dtype)])
    idxm = jnp.stack(
        [srcp.reshape(-1, _CHUNK), dstp.reshape(-1, _CHUNK)], axis=1
    ).reshape(-1, _CHUNK)
    xp = jnp.pad(x, ((0, np_ - n), (0, 0)))

    degp = _sc_degree(idxm, np_, kw)
    disf = _tc_dis(degp, np_)

    ht = _tc_matmul_scale(xp, W1, disf, np_)
    for b, w_next in ((b1, W2), (b2, W3), (b3, W4)):
        p0, p1 = _sc_aggregate(ht, idxm, np_, kw)
        ht = _tc_layer(p0, p1, ht, disf, b.reshape(1, -1), w_next, np_)
    p0, p1 = _sc_aggregate(ht, idxm, np_, kw)
    out = _tc_final(p0, p1, ht, disf, b4.reshape(1, -1), np_)
    return out[:n]

# --- scband reference (transcript-rebuilt; emitter-appended) ---
"""Pipeline reference for scband-gcn-45466523795657 (READ-ONLY COPY).

The authoritative reference and input builder live on the scoring server;
editing this copy changes nothing except your own understanding.
"""

import jax, jax.numpy as jnp
import numpy as np

N = 10000
E = 320000
D_IN = 128
D_OUT = 128


def setup_inputs(seed: int = 0) -> dict:
    key = jax.random.key(seed)
    ks = jax.random.split(key, 12)
    x = jax.random.normal(ks[0], (N, D_IN), dtype=jnp.float32)
    edge_index = jax.random.randint(ks[1], (2, E), 0, N, dtype=jnp.int32)
    def glorot(k, fan_in, fan_out):
        limit = float(np.sqrt(6.0 / (fan_in + fan_out)))
        return jax.random.uniform(k, (fan_in, fan_out), jnp.float32, -limit, limit)
    W1 = glorot(ks[2], D_IN, D_IN)
    b1 = jnp.zeros((D_IN,), jnp.float32)
    W2 = glorot(ks[3], D_IN, D_IN)
    b2 = jnp.zeros((D_IN,), jnp.float32)
    W3 = glorot(ks[4], D_IN, D_IN)
    b3 = jnp.zeros((D_IN,), jnp.float32)
    W4 = glorot(ks[5], D_IN, D_OUT)
    b4 = jnp.zeros((D_OUT,), jnp.float32)
    return {"x": x, "edge_index": edge_index, "W1": W1, "b1": b1, "W2": W2, "b2": b2, "W3": W3, "b3": b3, "W4": W4, "b4": b4}


def gcn_conv(x, edge_index, W, b):
    # PyG GCNConv: linear transform, add self-loops, symmetric normalization, scatter-add aggregate, bias.
    num_nodes = x.shape[0]
    src = edge_index[0]
    dst = edge_index[1]
    loop = jnp.arange(num_nodes, dtype=src.dtype)
    src = jnp.concatenate([src, loop])
    dst = jnp.concatenate([dst, loop])
    deg = jnp.zeros((num_nodes,), x.dtype).at[dst].add(1.0)
    deg_inv_sqrt = jnp.where(deg > 0, deg ** -0.5, 0.0)
    norm = deg_inv_sqrt[src] * deg_inv_sqrt[dst]
    h = x @ W
    msg = h[src] * norm[:, None]
    out = jnp.zeros((num_nodes, h.shape[1]), h.dtype).at[dst].add(msg)
    return out + b


def reference(x, edge_index, W1, b1, W2, b2, W3, b3, W4, b4):
    # Eval mode: F.dropout is identity. LeakyReLU default negative_slope = 0.01.
    h = gcn_conv(x, edge_index, W1, b1)
    h = jax.nn.leaky_relu(h, 0.01)
    h = gcn_conv(h, edge_index, W2, b2)
    h = jax.nn.leaky_relu(h, 0.01)
    h = gcn_conv(h, edge_index, W3, b3)
    h = jax.nn.leaky_relu(h, 0.01)
    h = gcn_conv(h, edge_index, W4, b4)
    h = jax.nn.leaky_relu(h, 0.01)
    return h

if __name__ == "__main__":
    import jax
    _d = setup_inputs()
    print(jax.jit(kernel)(*tuple(_d.values())))

</pallas_src>

<mosaic_0001>
#map = affine_map<(d0, d1) -> (0, 0)>
module attributes {stable_mosaic.version = 14 : i64} {
  func.func @k(%arg0: i32, %arg1: i32, %arg2: memref<5056x128xi32, #tpu.memory_space<hbm>>, %arg3: memref<32x10240xf32, #tpu.memory_space<hbm>>, %arg4: memref<1x128xi32, #tpu.memory_space<vmem>>, %arg5: memref<10240xf32, #tpu.memory_space<vmem>>) attributes {dimension_semantics = [#tpu.dimension_semantics<core_parallel>, #tpu.dimension_semantics<subcore_parallel>], iteration_bounds = array<i64: 2, 16>, scalar_prefetch = 0 : i64, scratch_operands = 2 : i64, tpu.core_type = #tpu.core_type<sc_vector_subcore>, window_params = [{transform_indices = #map}, {transform_indices = #map}]} {
    %mul3A = arith.constant 2 : i32
    %mul3A_0 = arith.muli %arg1, %mul3A : i32
    %add3A = arith.addi %mul3A_0, %arg0 : i32
    %broadcast_in_dim3A = arith.constant 0.000000e+00 : f32
    %broadcast_in_dim3A_1 = vector.broadcast %broadcast_in_dim3A : f32 to vector<16xf32>
    %scan3A = arith.constant 0 : i32
    %scan3A_2 = arith.constant 640 : i32
    %scan3A_3 = arith.addi %scan3A, %scan3A_2 : i32
    %scan3A_4 = arith.constant 1 : i32
    scf.for %scan3A_13 = %scan3A to %scan3A_3 step %scan3A_4  : i32 {
      %mul3A_14 = arith.constant 16 : i32
      %mul3A_15 = arith.muli %scan3A_13, %mul3A_14 : i32
      %add3A_16 = arith.constant 0 : i32
      %add3A_17 = arith.addi %add3A_16, %mul3A_15 : i32
      %swap3A = arith.index_cast %add3A_17 : i32 to index
      %swap3A_18 = tpu.vector_load %arg5[%swap3A] {strides = array<i32>} : memref<10240xf32, #tpu.memory_space<vmem>>, vector<16xf32>,
      tpu.vector_store %arg5[%swap3A], %broadcast_in_dim3A_1 {strides = array<i32>} : memref<10240xf32, #tpu.memory_space<vmem>>, vector<16xf32>,
    }
    %scan3A_5 = arith.constant 640 : i32
    %broadcast_in_dim3A_6 = arith.constant 1.000000e+00 : f32
    %broadcast_in_dim3A_7 = vector.broadcast %broadcast_in_dim3A_6 : f32 to vector<16xf32>
    %scan3A_8 = arith.constant 0 : i32
    %scan3A_9 = arith.constant 79 : i32
    %scan3A_10 = arith.addi %scan3A_8, %scan3A_9 : i32
    %scan3A_11 = arith.constant 1 : i32
    scf.for %scan3A_13 = %scan3A_8 to %scan3A_10 step %scan3A_11  : i32 {
      %mul3A_14 = arith.constant 1 : i32
      %mul3A_15 = arith.muli %scan3A_13, %mul3A_14 : i32
      %add3A_16 = arith.constant 0 : i32
      %add3A_17 = arith.addi %add3A_16, %mul3A_15 : i32
      %mul3A_18 = arith.constant 79 : i32
      %mul3A_19 = arith.muli %add3A, %mul3A_18 : i32
      %add3A_20 = arith.addi %mul3A_19, %add3A_17 : i32
      %mul3A_21 = arith.constant 2 : i32
      %mul3A_22 = arith.muli %add3A_20, %mul3A_21 : i32
      %add3A_23 = arith.constant 1 : i32
      %add3A_24 = arith.addi %mul3A_22, %add3A_23 : i32
      %run_scoped3A = arith.constant 0 : i32
      "tpu.region"() ({
        %run_scoped3A_30 = tpu.sem_alloc : memref<!tpu.dma_semaphore, #tpu.memory_space<semaphore_mem>>
        %dma_start3A = arith.constant 0 : i32
        %dma_start3A_31 = tpu.memref_slice %arg4[%run_scoped3A, %dma_start3A] : memref<1x128xi32, #tpu.memory_space<vmem>> -> memref<1x128xi32, #tpu.memory_space<vmem>>
        %dma_start3A_32 = tpu.memref_squeeze %dma_start3A_31 : memref<1x128xi32, #tpu.memory_space<vmem>> -> memref<128xi32, #tpu.memory_space<vmem>>
        %dma_start3A_33 = arith.constant 0 : i32
        %dma_start3A_34 = tpu.memref_slice %arg2[%add3A_24, %dma_start3A_33] : memref<5056x128xi32, #tpu.memory_space<hbm>> -> memref<1x128xi32, #tpu.memory_space<hbm>>
        %dma_start3A_35 = tpu.memref_squeeze %dma_start3A_34 : memref<1x128xi32, #tpu.memory_space<hbm>> -> memref<128xi32, #tpu.memory_space<hbm>>
        %dma_start3A_36 = arith.constant 0 : i32
        %dma_start3A_37 = tpu.memref_slice %arg4[%run_scoped3A, %dma_start3A_36] : memref<1x128xi32, #tpu.memory_space<vmem>> -> memref<1x128xi32, #tpu.memory_space<vmem>>
        %dma_start3A_38 = tpu.memref_squeeze %dma_start3A_37 : memref<1x128xi32, #tpu.memory_space<vmem>> -> memref<128xi32, #tpu.memory_space<vmem>>
        %dma_start3A_39 = arith.constant 0 : i32
        %dma_start3A_40 = tpu.memref_slice %arg2[%add3A_24, %dma_start3A_39] : memref<5056x128xi32, #tpu.memory_space<hbm>> -> memref<1x128xi32, #tpu.memory_space<hbm>>
        %dma_start3A_41 = tpu.memref_squeeze %dma_start3A_40 : memref<1x128xi32, #tpu.memory_space<hbm>> -> memref<128xi32, #tpu.memory_space<hbm>>
        tpu.enqueue_dma source(%dma_start3A_41 : memref<128xi32, #tpu.memory_space<hbm>>) target(%dma_start3A_38 : memref<128xi32, #tpu.memory_space<vmem>>) target_semaphore(%run_scoped3A_30 : memref<!tpu.dma_semaphore, #tpu.memory_space<semaphore_mem>>)
        %dma_wait3A = arith.constant 0 : i32
        %dma_wait3A_42 = tpu.memref_slice %arg4[%run_scoped3A, %dma_wait3A] : memref<1x128xi32, #tpu.memory_space<vmem>> -> memref<1x128xi32, #tpu.memory_space<vmem>>
        %dma_wait3A_43 = tpu.memref_squeeze %dma_wait3A_42 : memref<1x128xi32, #tpu.memory_space<vmem>> -> memref<128xi32, #tpu.memory_space<vmem>>
        %dma_wait3A_44 = arith.constant 0 : i32
        %dma_wait3A_45 = tpu.memref_slice %arg2[%add3A_24, %dma_wait3A_44] : memref<5056x128xi32, #tpu.memory_space<hbm>> -> memref<1x128xi32, #tpu.memory_space<hbm>>
        %dma_wait3A_46 = tpu.memref_squeeze %dma_wait3A_45 : memref<1x128xi32, #tpu.memory_space<hbm>> -> memref<128xi32, #tpu.memory_space<hbm>>
        %dma_wait3A_47 = arith.constant 0 : i32
        %dma_wait3A_48 = tpu.memref_slice %arg4[%run_scoped3A, %dma_wait3A_47] : memref<1x128xi32, #tpu.memory_space<vmem>> -> memref<1x128xi32, #tpu.memory_space<vmem>>
        %dma_wait3A_49 = tpu.memref_squeeze %dma_wait3A_48 : memref<1x128xi32, #tpu.memory_space<vmem>> -> memref<128xi32, #tpu.memory_space<vmem>>
        %dma_wait3A_50 = arith.constant 0 : i32
        %dma_wait3A_51 = tpu.memref_slice %arg2[%add3A_24, %dma_wait3A_50] : memref<5056x128xi32, #tpu.memory_space<hbm>> -> memref<1x128xi32, #tpu.memory_space<hbm>>
        %dma_wait3A_52 = tpu.memref_squeeze %dma_wait3A_51 : memref<1x128xi32, #tpu.memory_space<hbm>> -> memref<128xi32, #tpu.memory_space<hbm>>
        tpu.wait_dma2 semaphore(%run_scoped3A_30 : memref<!tpu.dma_semaphore, #tpu.memory_space<semaphore_mem>>) src(%dma_wait3A_52 : memref<128xi32, #tpu.memory_space<hbm>>) dst(%dma_wait3A_49 : memref<128xi32, #tpu.memory_space<vmem>>)
        tpu.yield
      }) : () -> ()
      %scan3A_25 = arith.constant 0 : i32
      %scan3A_26 = arith.constant 8 : i32
      %scan3A_27 = arith.addi %scan3A_25, %scan3A_26 : i32
      %scan3A_28 = arith.constant 1 : i32
      scf.for %scan3A_30 = %scan3A_25 to %scan3A_27 step %scan3A_28  : i32 {
        %mul3A_31 = arith.constant 16 : i32
        %mul3A_32 = arith.muli %scan3A_30, %mul3A_31 : i32
        %add3A_33 = arith.constant 0 : i32
        %add3A_34 = arith.addi %add3A_33, %mul3A_32 : i32
        %get3A = arith.constant 0 : i32
        %get3A_35 = arith.index_cast %get3A : i32 to index
        %get3A_36 = arith.index_cast %add3A_34 : i32 to index
        %get3A_37 = tpu.vector_load %arg4[%get3A_35, %get3A_36] {strides = array<i32>} : memref<1x128xi32, #tpu.memory_space<vmem>>, vector<16xi32>,
        tpu.vector_store_idx %arg5[%get3A_37], %broadcast_in_dim3A_7 {add = true} : memref<10240xf32, #tpu.memory_space<vmem>>[vector<16xi32>], vector<16xf32>,
      }
      %scan3A_29 = arith.constant 8 : i32
    }
    %scan3A_12 = arith.constant 79 : i32
    "tpu.region"() ({
      %run_scoped3A = tpu.sem_alloc : memref<!tpu.dma_semaphore, #tpu.memory_space<semaphore_mem>>
      %dma_start3A = arith.constant 0 : i32
      %dma_start3A_13 = tpu.memref_slice %arg3[%add3A, %dma_start3A] : memref<32x10240xf32, #tpu.memory_space<hbm>> -> memref<1x10240xf32, #tpu.memory_space<hbm>>
      %dma_start3A_14 = tpu.memref_squeeze %dma_start3A_13 : memref<1x10240xf32, #tpu.memory_space<hbm>> -> memref<10240xf32, #tpu.memory_space<hbm>>
      %dma_start3A_15 = arith.constant 0 : i32
      %dma_start3A_16 = tpu.memref_slice %arg3[%add3A, %dma_start3A_15] : memref<32x10240xf32, #tpu.memory_space<hbm>> -> memref<1x10240xf32, #tpu.memory_space<hbm>>
      %dma_start3A_17 = tpu.memref_squeeze %dma_start3A_16 : memref<1x10240xf32, #tpu.memory_space<hbm>> -> memref<10240xf32, #tpu.memory_space<hbm>>
      tpu.enqueue_dma source(%arg5 : memref<10240xf32, #tpu.memory_space<vmem>>) target(%dma_start3A_17 : memref<10240xf32, #tpu.memory_space<hbm>>) target_semaphore(%run_scoped3A : memref<!tpu.dma_semaphore, #tpu.memory_space<semaphore_mem>>)
      %dma_wait3A = arith.constant 0 : i32
      %dma_wait3A_18 = tpu.memref_slice %arg3[%add3A, %dma_wait3A] : memref<32x10240xf32, #tpu.memory_space<hbm>> -> memref<1x10240xf32, #tpu.memory_space<hbm>>
      %dma_wait3A_19 = tpu.memref_squeeze %dma_wait3A_18 : memref<1x10240xf32, #tpu.memory_space<hbm>> -> memref<10240xf32, #tpu.memory_space<hbm>>
      %dma_wait3A_20 = arith.constant 0 : i32
      %dma_wait3A_21 = tpu.memref_slice %arg3[%add3A, %dma_wait3A_20] : memref<32x10240xf32, #tpu.memory_space<hbm>> -> memref<1x10240xf32, #tpu.memory_space<hbm>>
      %dma_wait3A_22 = tpu.memref_squeeze %dma_wait3A_21 : memref<1x10240xf32, #tpu.memory_space<hbm>> -> memref<10240xf32, #tpu.memory_space<hbm>>
      tpu.wait_dma2 semaphore(%run_scoped3A : memref<!tpu.dma_semaphore, #tpu.memory_space<semaphore_mem>>) src(%arg5 : memref<10240xf32, #tpu.memory_space<vmem>>) dst(%dma_wait3A_22 : memref<10240xf32, #tpu.memory_space<hbm>>)
      tpu.yield
    }) : () -> ()
    return
  }
}

#map = affine_map<(d0, d1) -> (0, 0)>
module attributes {stable_mosaic.version = 14 : i64} {
  func.func @k(%arg0: i32, %arg1: i32, %arg2: memref<10240x128xf32, #tpu.memory_space<hbm>>, %arg3: memref<5056x128xi32, #tpu.memory_space<hbm>>, %arg4: memref<10240x128xf32, #tpu.memory_space<hbm>>, %arg5: memref<10240x128xf32, #tpu.memory_space<hbm>>, %arg6: memref<2x128xi32, #tpu.memory_space<vmem>>, %arg7: memref<128x128xf32, #tpu.memory_space<vmem>>, %arg8: memref<10240x128xf32, #tpu.memory_space<vmem_shared>>, %arg9: memref<!tpu.dma_semaphore, #tpu.memory_space<semaphore_mem>>) attributes {dimension_semantics = [#tpu.dimension_semantics<core_parallel>, #tpu.dimension_semantics<subcore_parallel>], iteration_bounds = array<i64: 2, 16>, scalar_prefetch = 0 : i64, scratch_operands = 4 : i64, tpu.core_type = #tpu.core_type<sc_vector_subcore>, window_params = [{transform_indices = #map}, {transform_indices = #map}, {transform_indices = #map}, {transform_indices = #map}]} {
    %mul3A = arith.constant 2 : i32
    %mul3A_0 = arith.muli %arg1, %mul3A : i32
    %add3A = arith.addi %mul3A_0, %arg0 : i32
    %broadcast_in_dim3A = arith.constant 0.000000e+00 : f32
    %broadcast_in_dim3A_1 = vector.broadcast %broadcast_in_dim3A : f32 to vector<16xf32>
    %scan3A = arith.constant 0 : i32
    %scan3A_2 = arith.constant 128 : i32
    %scan3A_3 = arith.addi %scan3A, %scan3A_2 : i32
    %scan3A_4 = arith.constant 1 : i32
    scf.for %scan3A_24 = %scan3A to %scan3A_3 step %scan3A_4  : i32 {
      %mul3A_25 = arith.constant 1 : i32
      %mul3A_26 = arith.muli %scan3A_24, %mul3A_25 : i32
      %add3A_27 = arith.constant 0 : i32
      %add3A_28 = arith.addi %add3A_27, %mul3A_26 : i32
      %scan3A_29 = arith.constant 0 : i32
      %scan3A_30 = arith.constant 8 : i32
      %scan3A_31 = arith.addi %scan3A_29, %scan3A_30 : i32
      %scan3A_32 = arith.constant 1 : i32
      scf.for %scan3A_34 = %scan3A_29 to %scan3A_31 step %scan3A_32  : i32 {
        %mul3A_35 = arith.constant 16 : i32
        %mul3A_36 = arith.muli %scan3A_34, %mul3A_35 : i32
        %add3A_37 = arith.constant 0 : i32
        %add3A_38 = arith.addi %add3A_37, %mul3A_36 : i32
        %swap3A = arith.index_cast %add3A_28 : i32 to index
        %swap3A_39 = arith.index_cast %add3A_38 : i32 to index
        %swap3A_40 = tpu.vector_load %arg7[%swap3A, %swap3A_39] {strides = array<i32>} : memref<128x128xf32, #tpu.memory_space<vmem>>, vector<1x16xf32>,
        %swap3A_41 = vector.shape_cast %swap3A_40 : vector<1x16xf32> to vector<16xf32>
        %swap3A_42 = vector.shape_cast %broadcast_in_dim3A_1 : vector<16xf32> to vector<1x16xf32>
        tpu.vector_store %arg7[%swap3A, %swap3A_39], %swap3A_42 {strides = array<i32>} : memref<128x128xf32, #tpu.memory_space<vmem>>, vector<1x16xf32>,
      }
      %scan3A_33 = arith.constant 8 : i32
    }
    %scan3A_5 = arith.constant 128 : i32
    %scan3A_6 = arith.constant 0 : i32
    %scan3A_7 = arith.constant 5 : i32
    %scan3A_8 = arith.addi %scan3A_6, %scan3A_7 : i32
    %scan3A_9 = arith.constant 1 : i32
    scf.for %scan3A_24 = %scan3A_6 to %scan3A_8 step %scan3A_9  : i32 {
      %mul3A_25 = arith.constant 128 : i32
      %mul3A_26 = arith.muli %scan3A_24, %mul3A_25 : i32
      %add3A_27 = arith.constant 0 : i32
      %add3A_28 = arith.addi %add3A_27, %mul3A_26 : i32
      %mul3A_29 = arith.constant 640 : i32
      %mul3A_30 = arith.muli %arg1, %mul3A_29 : i32
      %add3A_31 = arith.addi %mul3A_30, %add3A_28 : i32
      "tpu.region"() ({
        %run_scoped3A = tpu.sem_alloc : memref<!tpu.dma_semaphore, #tpu.memory_space<semaphore_mem>>
        %dma_start3A = arith.constant 0 : i32
        %dma_start3A_32 = tpu.memref_slice %arg8[%add3A_31, %dma_start3A] : memref<10240x128xf32, #tpu.memory_space<vmem_shared>> -> memref<128x128xf32, #tpu.memory_space<vmem_shared>>
        %dma_start3A_33 = arith.constant 0 : i32
        %dma_start3A_34 = tpu.memref_slice %arg8[%add3A_31, %dma_start3A_33] : memref<10240x128xf32, #tpu.memory_space<vmem_shared>> -> memref<128x128xf32, #tpu.memory_space<vmem_shared>>
        tpu.enqueue_dma source(%arg7 : memref<128x128xf32, #tpu.memory_space<vmem>>) target(%dma_start3A_34 : memref<128x128xf32, #tpu.memory_space<vmem_shared>>) target_semaphore(%run_scoped3A : memref<!tpu.dma_semaphore, #tpu.memory_space<semaphore_mem>>)
        %dma_wait3A = arith.constant 0 : i32
        %dma_wait3A_35 = tpu.memref_slice %arg8[%add3A_31, %dma_wait3A] : memref<10240x128xf32, #tpu.memory_space<vmem_shared>> -> memref<128x128xf32, #tpu.memory_space<vmem_shared>>
        %dma_wait3A_36 = arith.constant 0 : i32
        %dma_wait3A_37 = tpu.memref_slice %arg8[%add3A_31, %dma_wait3A_36] : memref<10240x128xf32, #tpu.memory_space<vmem_shared>> -> memref<128x128xf32, #tpu.memory_space<vmem_shared>>
        tpu.wait_dma2 semaphore(%run_scoped3A : memref<!tpu.dma_semaphore, #tpu.memory_space<semaphore_mem>>) src(%arg7 : memref<128x128xf32, #tpu.memory_space<vmem>>) dst(%dma_wait3A_37 : memref<128x128xf32, #tpu.memory_space<vmem_shared>>)
        tpu.yield
      }) : () -> ()
    }
    %scan3A_10 = arith.constant 5 : i32
    %barrier3A = arith.constant 0 : index
    tpu.barrier barrier_id(%barrier3A)
    %scan3A_11 = arith.constant 0 : i32
    %scan3A_12 = arith.constant 79 : i32
    %scan3A_13 = arith.addi %scan3A_11, %scan3A_12 : i32
    %scan3A_14 = arith.constant 1 : i32
    scf.for %scan3A_24 = %scan3A_11 to %scan3A_13 step %scan3A_14  : i32 {
      %mul3A_25 = arith.constant 1 : i32
      %mul3A_26 = arith.muli %scan3A_24, %mul3A_25 : i32
      %add3A_27 = arith.constant 0 : i32
      %add3A_28 = arith.addi %add3A_27, %mul3A_26 : i32
      %mul3A_29 = arith.constant 79 : i32
      %mul3A_30 = arith.muli %add3A, %mul3A_29 : i32
      %add3A_31 = arith.addi %mul3A_30, %add3A_28 : i32
      %mul3A_32 = arith.constant 2 : i32
      %mul3A_33 = arith.muli %add3A_31, %mul3A_32 : i32
      "tpu.region"() ({
        %run_scoped3A = tpu.sem_alloc : memref<!tpu.dma_semaphore, #tpu.memory_space<semaphore_mem>>
        %dma_start3A_60 = arith.constant 0 : i32
        %dma_start3A_61 = tpu.memref_slice %arg3[%mul3A_33, %dma_start3A_60] : memref<5056x128xi32, #tpu.memory_space<hbm>> -> memref<2x128xi32, #tpu.memory_space<hbm>>
        %dma_start3A_62 = arith.constant 0 : i32
        %dma_start3A_63 = tpu.memref_slice %arg3[%mul3A_33, %dma_start3A_62] : memref<5056x128xi32, #tpu.memory_space<hbm>> -> memref<2x128xi32, #tpu.memory_space<hbm>>
        tpu.enqueue_dma source(%dma_start3A_63 : memref<2x128xi32, #tpu.memory_space<hbm>>) target(%arg6 : memref<2x128xi32, #tpu.memory_space<vmem>>) target_semaphore(%run_scoped3A : memref<!tpu.dma_semaphore, #tpu.memory_space<semaphore_mem>>)
        %dma_wait3A_64 = arith.constant 0 : i32
        %dma_wait3A_65 = tpu.memref_slice %arg3[%mul3A_33, %dma_wait3A_64] : memref<5056x128xi32, #tpu.memory_space<hbm>> -> memref<2x128xi32, #tpu.memory_space<hbm>>
        %dma_wait3A_66 = arith.constant 0 : i32
        %dma_wait3A_67 = tpu.memref_slice %arg3[%mul3A_33, %dma_wait3A_66] : memref<5056x128xi32, #tpu.memory_space<hbm>> -> memref<2x128xi32, #tpu.memory_space<hbm>>
        tpu.wait_dma2 semaphore(%run_scoped3A : memref<!tpu.dma_semaphore, #tpu.memory_space<semaphore_mem>>) src(%dma_wait3A_67 : memref<2x128xi32, #tpu.memory_space<hbm>>) dst(%arg6 : memref<2x128xi32, #tpu.memory_space<vmem>>)
        tpu.yield
      }) : () -> ()
      %dma_start3A = arith.constant 0 : i32
      %dma_start3A_34 = arith.constant 0 : i32
      %dma_start3A_35 = tpu.memref_slice %arg6[%dma_start3A, %dma_start3A_34] : memref<2x128xi32, #tpu.memory_space<vmem>> -> memref<1x128xi32, #tpu.memory_space<vmem>>
      %dma_start3A_36 = tpu.memref_squeeze %dma_start3A_35 : memref<1x128xi32, #tpu.memory_space<vmem>> -> memref<128xi32, #tpu.memory_space<vmem>>
      %dma_start3A_37 = arith.constant 0 : i32
      %dma_start3A_38 = arith.constant 0 : i32
      %dma_start3A_39 = tpu.memref_slice %arg2[%dma_start3A_37, %dma_start3A_38] : memref<10240x128xf32, #tpu.memory_space<hbm>> -> memref<10240x128xf32, #tpu.memory_space<hbm>>
      tpu.enqueue_indirect_dma source(%dma_start3A_39 : memref<10240x128xf32, #tpu.memory_space<hbm>>) target(%arg7 : memref<128x128xf32, #tpu.memory_space<vmem>>) offsets(%dma_start3A_36 : memref<128xi32, #tpu.memory_space<vmem>>) semaphore(%arg9 : memref<!tpu.dma_semaphore, #tpu.memory_space<semaphore_mem>>)
      %dma_wait3A = arith.constant 0 : i32
      %dma_wait3A_40 = arith.constant 0 : i32
      %dma_wait3A_41 = tpu.memref_slice %arg6[%dma_wait3A, %dma_wait3A_40] : memref<2x128xi32, #tpu.memory_space<vmem>> -> memref<1x128xi32, #tpu.memory_space<vmem>>
      %dma_wait3A_42 = tpu.memref_squeeze %dma_wait3A_41 : memref<1x128xi32, #tpu.memory_space<vmem>> -> memref<128xi32, #tpu.memory_space<vmem>>
      %dma_wait3A_43 = arith.constant 0 : i32
      %dma_wait3A_44 = arith.constant 0 : i32
      %dma_wait3A_45 = tpu.memref_slice %arg2[%dma_wait3A_43, %dma_wait3A_44] : memref<10240x128xf32, #tpu.memory_space<hbm>> -> memref<10240x128xf32, #tpu.memory_space<hbm>>
      tpu.wait_indirect_dma semaphore(%arg9 : memref<!tpu.dma_semaphore, #tpu.memory_space<semaphore_mem>>) src(%dma_wait3A_45 : memref<10240x128xf32, #tpu.memory_space<hbm>>) dst(%arg7 : memref<128x128xf32, #tpu.memory_space<vmem>>)
      %dma_start3A_46 = arith.constant 1 : i32
      %dma_start3A_47 = arith.constant 0 : i32
      %dma_start3A_48 = tpu.memref_slice %arg6[%dma_start3A_46, %dma_start3A_47] : memref<2x128xi32, #tpu.memory_space<vmem>> -> memref<1x128xi32, #tpu.memory_space<vmem>>
      %dma_start3A_49 = tpu.memref_squeeze %dma_start3A_48 : memref<1x128xi32, #tpu.memory_space<vmem>> -> memref<128xi32, #tpu.memory_space<vmem>>
      %dma_start3A_50 = arith.constant 0 : i32
      %dma_start3A_51 = arith.constant 0 : i32
      %dma_start3A_52 = tpu.memref_slice %arg8[%dma_start3A_50, %dma_start3A_51] : memref<10240x128xf32, #tpu.memory_space<vmem_shared>> -> memref<10240x128xf32, #tpu.memory_space<vmem_shared>>
      tpu.enqueue_indirect_dma source(%arg7 : memref<128x128xf32, #tpu.memory_space<vmem>>) target(%dma_start3A_52 : memref<10240x128xf32, #tpu.memory_space<vmem_shared>>) offsets(%dma_start3A_49 : memref<128xi32, #tpu.memory_space<vmem>>) semaphore(%arg9 : memref<!tpu.dma_semaphore, #tpu.memory_space<semaphore_mem>>) {add = true}
      %dma_wait3A_53 = arith.constant 1 : i32
      %dma_wait3A_54 = arith.constant 0 : i32
      %dma_wait3A_55 = tpu.memref_slice %arg6[%dma_wait3A_53, %dma_wait3A_54] : memref<2x128xi32, #tpu.memory_space<vmem>> -> memref<1x128xi32, #tpu.memory_space<vmem>>
      %dma_wait3A_56 = tpu.memref_squeeze %dma_wait3A_55 : memref<1x128xi32, #tpu.memory_space<vmem>> -> memref<128xi32, #tpu.memory_space<vmem>>
      %dma_wait3A_57 = arith.constant 0 : i32
      %dma_wait3A_58 = arith.constant 0 : i32
      %dma_wait3A_59 = tpu.memref_slice %arg8[%dma_wait3A_57, %dma_wait3A_58] : memref<10240x128xf32, #tpu.memory_space<vmem_shared>> -> memref<10240x128xf32, #tpu.memory_space<vmem_shared>>
      tpu.wait_indirect_dma semaphore(%arg9 : memref<!tpu.dma_semaphore, #tpu.memory_space<semaphore_mem>>) src(%arg7 : memref<128x128xf32, #tpu.memory_space<vmem>>) dst(%dma_wait3A_59 : memref<10240x128xf32, #tpu.memory_space<vmem_shared>>)
    }
    %scan3A_15 = arith.constant 79 : i32
    %barrier3A_16 = arith.constant 0 : index
    tpu.barrier barrier_id(%barrier3A_16)
    %eq3A = arith.constant 0 : i32
    %eq3A_17 = arith.cmpi eq, %arg0, %eq3A : i32
    %convert_element_type3A = arith.extui %eq3A_17 : i1 to i32
    %cond3A = arith.constant 0 : i32
    %cond3A_18 = arith.cmpi ne, %convert_element_type3A, %cond3A : i32
    scf.if %cond3A_18 {
      %mul3A_24 = arith.constant 640 : i32
      %mul3A_25 = arith.muli %arg1, %mul3A_24 : i32
      %mul3A_26 = arith.constant 640 : i32
      %mul3A_27 = arith.muli %arg1, %mul3A_26 : i32
      "tpu.region"() ({
        %run_scoped3A = tpu.sem_alloc : memref<!tpu.dma_semaphore, #tpu.memory_space<semaphore_mem>>
        %dma_start3A = arith.constant 0 : i32
        %dma_start3A_28 = tpu.memref_slice %arg4[%mul3A_27, %dma_start3A] : memref<10240x128xf32, #tpu.memory_space<hbm>> -> memref<640x128xf32, #tpu.memory_space<hbm>>
        %dma_start3A_29 = arith.constant 0 : i32
        %dma_start3A_30 = tpu.memref_slice %arg8[%mul3A_25, %dma_start3A_29] : memref<10240x128xf32, #tpu.memory_space<vmem_shared>> -> memref<640x128xf32, #tpu.memory_space<vmem_shared>>
        tpu.enqueue_dma source(%dma_start3A_30 : memref<640x128xf32, #tpu.memory_space<vmem_shared>>) target(%dma_start3A_28 : memref<640x128xf32, #tpu.memory_space<hbm>>) target_semaphore(%run_scoped3A : memref<!tpu.dma_semaphore, #tpu.memory_space<semaphore_mem>>)
        %dma_wait3A = arith.constant 0 : i32
        %dma_wait3A_31 = tpu.memref_slice %arg4[%mul3A_27, %dma_wait3A] : memref<10240x128xf32, #tpu.memory_space<hbm>> -> memref<640x128xf32, #tpu.memory_space<hbm>>
        %dma_wait3A_32 = arith.constant 0 : i32
        %dma_wait3A_33 = tpu.memref_slice %arg8[%mul3A_25, %dma_wait3A_32] : memref<10240x128xf32, #tpu.memory_space<vmem_shared>> -> memref<640x128xf32, #tpu.memory_space<vmem_shared>>
        tpu.wait_dma2 semaphore(%run_scoped3A : memref<!tpu.dma_semaphore, #tpu.memory_space<semaphore_mem>>) src(%dma_wait3A_33 : memref<640x128xf32, #tpu.memory_space<vmem_shared>>) dst(%dma_wait3A_31 : memref<640x128xf32, #tpu.memory_space<hbm>>)
        tpu.yield
      }) : () -> ()
    } else {
    }
    %eq3A_19 = arith.constant 1 : i32
    %eq3A_20 = arith.cmpi eq, %arg0, %eq3A_19 : i32
    %convert_element_type3A_21 = arith.extui %eq3A_20 : i1 to i32
    %cond3A_22 = arith.constant 0 : i32
    %cond3A_23 = arith.cmpi ne, %convert_element_type3A_21, %cond3A_22 : i32
    scf.if %cond3A_23 {
      %mul3A_24 = arith.constant 640 : i32
      %mul3A_25 = arith.muli %arg1, %mul3A_24 : i32
      %mul3A_26 = arith.constant 640 : i32
      %mul3A_27 = arith.muli %arg1, %mul3A_26 : i32
      "tpu.region"() ({
        %run_scoped3A = tpu.sem_alloc : memref<!tpu.dma_semaphore, #tpu.memory_space<semaphore_mem>>
        %dma_start3A = arith.constant 0 : i32
        %dma_start3A_28 = tpu.memref_slice %arg5[%mul3A_27, %dma_start3A] : memref<10240x128xf32, #tpu.memory_space<hbm>> -> memref<640x128xf32, #tpu.memory_space<hbm>>
        %dma_start3A_29 = arith.constant 0 : i32
        %dma_start3A_30 = tpu.memref_slice %arg8[%mul3A_25, %dma_start3A_29] : memref<10240x128xf32, #tpu.memory_space<vmem_shared>> -> memref<640x128xf32, #tpu.memory_space<vmem_shared>>
        tpu.enqueue_dma source(%dma_start3A_30 : memref<640x128xf32, #tpu.memory_space<vmem_shared>>) target(%dma_start3A_28 : memref<640x128xf32, #tpu.memory_space<hbm>>) target_semaphore(%run_scoped3A : memref<!tpu.dma_semaphore, #tpu.memory_space<semaphore_mem>>)
        %dma_wait3A = arith.constant 0 : i32
        %dma_wait3A_31 = tpu.memref_slice %arg5[%mul3A_27, %dma_wait3A] : memref<10240x128xf32, #tpu.memory_space<hbm>> -> memref<640x128xf32, #tpu.memory_space<hbm>>
        %dma_wait3A_32 = arith.constant 0 : i32
        %dma_wait3A_33 = tpu.memref_slice %arg8[%mul3A_25, %dma_wait3A_32] : memref<10240x128xf32, #tpu.memory_space<vmem_shared>> -> memref<640x128xf32, #tpu.memory_space<vmem_shared>>
        tpu.wait_dma2 semaphore(%run_scoped3A : memref<!tpu.dma_semaphore, #tpu.memory_space<semaphore_mem>>) src(%dma_wait3A_33 : memref<640x128xf32, #tpu.memory_space<vmem_shared>>) dst(%dma_wait3A_31 : memref<640x128xf32, #tpu.memory_space<hbm>>)
        tpu.yield
      }) : () -> ()
    } else {
    }
    return
  }
}

#map = affine_map<(d0, d1) -> (0, 0)>
module attributes {stable_mosaic.version = 14 : i64} {
  func.func @k(%arg0: i32, %arg1: i32, %arg2: memref<10240x128xf32, #tpu.memory_space<hbm>>, %arg3: memref<5056x128xi32, #tpu.memory_space<hbm>>, %arg4: memref<10240x128xf32, #tpu.memory_space<hbm>>, %arg5: memref<10240x128xf32, #tpu.memory_space<hbm>>, %arg6: memref<2x128xi32, #tpu.memory_space<vmem>>, %arg7: memref<128x128xf32, #tpu.memory_space<vmem>>, %arg8: memref<10240x128xf32, #tpu.memory_space<vmem_shared>>, %arg9: memref<!tpu.dma_semaphore, #tpu.memory_space<semaphore_mem>>) attributes {dimension_semantics = [#tpu.dimension_semantics<core_parallel>, #tpu.dimension_semantics<subcore_parallel>], iteration_bounds = array<i64: 2, 16>, scalar_prefetch = 0 : i64, scratch_operands = 4 : i64, tpu.core_type = #tpu.core_type<sc_vector_subcore>, window_params = [{transform_indices = #map}, {transform_indices = #map}, {transform_indices = #map}, {transform_indices = #map}]} {
    %mul3A = arith.constant 2 : i32
    %mul3A_0 = arith.muli %arg1, %mul3A : i32
    %add3A = arith.addi %mul3A_0, %arg0 : i32
    %broadcast_in_dim3A = arith.constant 0.000000e+00 : f32
    %broadcast_in_dim3A_1 = vector.broadcast %broadcast_in_dim3A : f32 to vector<16xf32>
    %scan3A = arith.constant 0 : i32
    %scan3A_2 = arith.constant 128 : i32
    %scan3A_3 = arith.addi %scan3A, %scan3A_2 : i32
    %scan3A_4 = arith.constant 1 : i32
    scf.for %scan3A_24 = %scan3A to %scan3A_3 step %scan3A_4  : i32 {
      %mul3A_25 = arith.constant 1 : i32
      %mul3A_26 = arith.muli %scan3A_24, %mul3A_25 : i32
      %add3A_27 = arith.constant 0 : i32
      %add3A_28 = arith.addi %add3A_27, %mul3A_26 : i32
      %scan3A_29 = arith.constant 0 : i32
      %scan3A_30 = arith.constant 8 : i32
      %scan3A_31 = arith.addi %scan3A_29, %scan3A_30 : i32
      %scan3A_32 = arith.constant 1 : i32
      scf.for %scan3A_34 = %scan3A_29 to %scan3A_31 step %scan3A_32  : i32 {
        %mul3A_35 = arith.constant 16 : i32
        %mul3A_36 = arith.muli %scan3A_34, %mul3A_35 : i32
        %add3A_37 = arith.constant 0 : i32
        %add3A_38 = arith.addi %add3A_37, %mul3A_36 : i32
        %swap3A = arith.index_cast %add3A_28 : i32 to index
        %swap3A_39 = arith.index_cast %add3A_38 : i32 to index
        %swap3A_40 = tpu.vector_load %arg7[%swap3A, %swap3A_39] {strides = array<i32>} : memref<128x128xf32, #tpu.memory_space<vmem>>, vector<1x16xf32>,
        %swap3A_41 = vector.shape_cast %swap3A_40 : vector<1x16xf32> to vector<16xf32>
        %swap3A_42 = vector.shape_cast %broadcast_in_dim3A_1 : vector<16xf32> to vector<1x16xf32>
        tpu.vector_store %arg7[%swap3A, %swap3A_39], %swap3A_42 {strides = array<i32>} : memref<128x128xf32, #tpu.memory_space<vmem>>, vector<1x16xf32>,
      }
      %scan3A_33 = arith.constant 8 : i32
    }
    %scan3A_5 = arith.constant 128 : i32
    %scan3A_6 = arith.constant 0 : i32
    %scan3A_7 = arith.constant 5 : i32
    %scan3A_8 = arith.addi %scan3A_6, %scan3A_7 : i32
    %scan3A_9 = arith.constant 1 : i32
    scf.for %scan3A_24 = %scan3A_6 to %scan3A_8 step %scan3A_9  : i32 {
      %mul3A_25 = arith.constant 128 : i32
      %mul3A_26 = arith.muli %scan3A_24, %mul3A_25 : i32
      %add3A_27 = arith.constant 0 : i32
      %add3A_28 = arith.addi %add3A_27, %mul3A_26 : i32
      %mul3A_29 = arith.constant 640 : i32
      %mul3A_30 = arith.muli %arg1, %mul3A_29 : i32
      %add3A_31 = arith.addi %mul3A_30, %add3A_28 : i32
      "tpu.region"() ({
        %run_scoped3A = tpu.sem_alloc : memref<!tpu.dma_semaphore, #tpu.memory_space<semaphore_mem>>
        %dma_start3A = arith.constant 0 : i32
        %dma_start3A_32 = tpu.memref_slice %arg8[%add3A_31, %dma_start3A] : memref<10240x128xf32, #tpu.memory_space<vmem_shared>> -> memref<128x128xf32, #tpu.memory_space<vmem_shared>>
        %dma_start3A_33 = arith.constant 0 : i32
        %dma_start3A_34 = tpu.memref_slice %arg8[%add3A_31, %dma_start3A_33] : memref<10240x128xf32, #tpu.memory_space<vmem_shared>> -> memref<128x128xf32, #tpu.memory_space<vmem_shared>>
        tpu.enqueue_dma source(%arg7 : memref<128x128xf32, #tpu.memory_space<vmem>>) target(%dma_start3A_34 : memref<128x128xf32, #tpu.memory_space<vmem_shared>>) target_semaphore(%run_scoped3A : memref<!tpu.dma_semaphore, #tpu.memory_space<semaphore_mem>>)
        %dma_wait3A = arith.constant 0 : i32
        %dma_wait3A_35 = tpu.memref_slice %arg8[%add3A_31, %dma_wait3A] : memref<10240x128xf32, #tpu.memory_space<vmem_shared>> -> memref<128x128xf32, #tpu.memory_space<vmem_shared>>
        %dma_wait3A_36 = arith.constant 0 : i32
        %dma_wait3A_37 = tpu.memref_slice %arg8[%add3A_31, %dma_wait3A_36] : memref<10240x128xf32, #tpu.memory_space<vmem_shared>> -> memref<128x128xf32, #tpu.memory_space<vmem_shared>>
        tpu.wait_dma2 semaphore(%run_scoped3A : memref<!tpu.dma_semaphore, #tpu.memory_space<semaphore_mem>>) src(%arg7 : memref<128x128xf32, #tpu.memory_space<vmem>>) dst(%dma_wait3A_37 : memref<128x128xf32, #tpu.memory_space<vmem_shared>>)
        tpu.yield
      }) : () -> ()
    }
    %scan3A_10 = arith.constant 5 : i32
    %barrier3A = arith.constant 0 : index
    tpu.barrier barrier_id(%barrier3A)
    %scan3A_11 = arith.constant 0 : i32
    %scan3A_12 = arith.constant 79 : i32
    %scan3A_13 = arith.addi %scan3A_11, %scan3A_12 : i32
    %scan3A_14 = arith.constant 1 : i32
    scf.for %scan3A_24 = %scan3A_11 to %scan3A_13 step %scan3A_14  : i32 {
      %mul3A_25 = arith.constant 1 : i32
      %mul3A_26 = arith.muli %scan3A_24, %mul3A_25 : i32
      %add3A_27 = arith.constant 0 : i32
      %add3A_28 = arith.addi %add3A_27, %mul3A_26 : i32
      %mul3A_29 = arith.constant 79 : i32
      %mul3A_30 = arith.muli %add3A, %mul3A_29 : i32
      %add3A_31 = arith.addi %mul3A_30, %add3A_28 : i32
      %mul3A_32 = arith.constant 2 : i32
      %mul3A_33 = arith.muli %add3A_31, %mul3A_32 : i32
      "tpu.region"() ({
        %run_scoped3A = tpu.sem_alloc : memref<!tpu.dma_semaphore, #tpu.memory_space<semaphore_mem>>
        %dma_start3A_60 = arith.constant 0 : i32
        %dma_start3A_61 = tpu.memref_slice %arg3[%mul3A_33, %dma_start3A_60] : memref<5056x128xi32, #tpu.memory_space<hbm>> -> memref<2x128xi32, #tpu.memory_space<hbm>>
        %dma_start3A_62 = arith.constant 0 : i32
        %dma_start3A_63 = tpu.memref_slice %arg3[%mul3A_33, %dma_start3A_62] : memref<5056x128xi32, #tpu.memory_space<hbm>> -> memref<2x128xi32, #tpu.memory_space<hbm>>
        tpu.enqueue_dma source(%dma_start3A_63 : memref<2x128xi32, #tpu.memory_space<hbm>>) target(%arg6 : memref<2x128xi32, #tpu.memory_space<vmem>>) target_semaphore(%run_scoped3A : memref<!tpu.dma_semaphore, #tpu.memory_space<semaphore_mem>>)
        %dma_wait3A_64 = arith.constant 0 : i32
        %dma_wait3A_65 = tpu.memref_slice %arg3[%mul3A_33, %dma_wait3A_64] : memref<5056x128xi32, #tpu.memory_space<hbm>> -> memref<2x128xi32, #tpu.memory_space<hbm>>
        %dma_wait3A_66 = arith.constant 0 : i32
        %dma_wait3A_67 = tpu.memref_slice %arg3[%mul3A_33, %dma_wait3A_66] : memref<5056x128xi32, #tpu.memory_space<hbm>> -> memref<2x128xi32, #tpu.memory_space<hbm>>
        tpu.wait_dma2 semaphore(%run_scoped3A : memref<!tpu.dma_semaphore, #tpu.memory_space<semaphore_mem>>) src(%dma_wait3A_67 : memref<2x128xi32, #tpu.memory_space<hbm>>) dst(%arg6 : memref<2x128xi32, #tpu.memory_space<vmem>>)
        tpu.yield
      }) : () -> ()
      %dma_start3A = arith.constant 0 : i32
      %dma_start3A_34 = arith.constant 0 : i32
      %dma_start3A_35 = tpu.memref_slice %arg6[%dma_start3A, %dma_start3A_34] : memref<2x128xi32, #tpu.memory_space<vmem>> -> memref<1x128xi32, #tpu.memory_space<vmem>>
      %dma_start3A_36 = tpu.memref_squeeze %dma_start3A_35 : memref<1x128xi32, #tpu.memory_space<vmem>> -> memref<128xi32, #tpu.memory_space<vmem>>
      %dma_start3A_37 = arith.constant 0 : i32
      %dma_start3A_38 = arith.constant 0 : i32
      %dma_start3A_39 = tpu.memref_slice %arg2[%dma_start3A_37, %dma_start3A_38] : memref<10240x128xf32, #tpu.memory_space<hbm>> -> memref<10240x128xf32, #tpu.memory_space<hbm>>
      tpu.enqueue_indirect_dma source(%dma_start3A_39 : memref<10240x128xf32, #tpu.memory_space<hbm>>) target(%arg7 : memref<128x128xf32, #tpu.memory_space<vmem>>) offsets(%dma_start3A_36 : memref<128xi32, #tpu.memory_space<vmem>>) semaphore(%arg9 : memref<!tpu.dma_semaphore, #tpu.memory_space<semaphore_mem>>)
      %dma_wait3A = arith.constant 0 : i32
      %dma_wait3A_40 = arith.constant 0 : i32
      %dma_wait3A_41 = tpu.memref_slice %arg6[%dma_wait3A, %dma_wait3A_40] : memref<2x128xi32, #tpu.memory_space<vmem>> -> memref<1x128xi32, #tpu.memory_space<vmem>>
      %dma_wait3A_42 = tpu.memref_squeeze %dma_wait3A_41 : memref<1x128xi32, #tpu.memory_space<vmem>> -> memref<128xi32, #tpu.memory_space<vmem>>
      %dma_wait3A_43 = arith.constant 0 : i32
      %dma_wait3A_44 = arith.constant 0 : i32
      %dma_wait3A_45 = tpu.memref_slice %arg2[%dma_wait3A_43, %dma_wait3A_44] : memref<10240x128xf32, #tpu.memory_space<hbm>> -> memref<10240x128xf32, #tpu.memory_space<hbm>>
      tpu.wait_indirect_dma semaphore(%arg9 : memref<!tpu.dma_semaphore, #tpu.memory_space<semaphore_mem>>) src(%dma_wait3A_45 : memref<10240x128xf32, #tpu.memory_space<hbm>>) dst(%arg7 : memref<128x128xf32, #tpu.memory_space<vmem>>)
      %dma_start3A_46 = arith.constant 1 : i32
      %dma_start3A_47 = arith.constant 0 : i32
      %dma_start3A_48 = tpu.memref_slice %arg6[%dma_start3A_46, %dma_start3A_47] : memref<2x128xi32, #tpu.memory_space<vmem>> -> memref<1x128xi32, #tpu.memory_space<vmem>>
      %dma_start3A_49 = tpu.memref_squeeze %dma_start3A_48 : memref<1x128xi32, #tpu.memory_space<vmem>> -> memref<128xi32, #tpu.memory_space<vmem>>
      %dma_start3A_50 = arith.constant 0 : i32
      %dma_start3A_51 = arith.constant 0 : i32
      %dma_start3A_52 = tpu.memref_slice %arg8[%dma_start3A_50, %dma_start3A_51] : memref<10240x128xf32, #tpu.memory_space<vmem_shared>> -> memref<10240x128xf32, #tpu.memory_space<vmem_shared>>
      tpu.enqueue_indirect_dma source(%arg7 : memref<128x128xf32, #tpu.memory_space<vmem>>) target(%dma_start3A_52 : memref<10240x128xf32, #tpu.memory_space<vmem_shared>>) offsets(%dma_start3A_49 : memref<128xi32, #tpu.memory_space<vmem>>) semaphore(%arg9 : memref<!tpu.dma_semaphore, #tpu.memory_space<semaphore_mem>>) {add = true}
      %dma_wait3A_53 = arith.constant 1 : i32
      %dma_wait3A_54 = arith.constant 0 : i32
      %dma_wait3A_55 = tpu.memref_slice %arg6[%dma_wait3A_53, %dma_wait3A_54] : memref<2x128xi32, #tpu.memory_space<vmem>> -> memref<1x128xi32, #tpu.memory_space<vmem>>
      %dma_wait3A_56 = tpu.memref_squeeze %dma_wait3A_55 : memref<1x128xi32, #tpu.memory_space<vmem>> -> memref<128xi32, #tpu.memory_space<vmem>>
      %dma_wait3A_57 = arith.constant 0 : i32
      %dma_wait3A_58 = arith.constant 0 : i32
      %dma_wait3A_59 = tpu.memref_slice %arg8[%dma_wait3A_57, %dma_wait3A_58] : memref<10240x128xf32, #tpu.memory_space<vmem_shared>> -> memref<10240x128xf32, #tpu.memory_space<vmem_shared>>
      tpu.wait_indirect_dma semaphore(%arg9 : memref<!tpu.dma_semaphore, #tpu.memory_space<semaphore_mem>>) src(%arg7 : memref<128x128xf32, #tpu.memory_space<vmem>>) dst(%dma_wait3A_59 : memref<10240x128xf32, #tpu.memory_space<vmem_shared>>)
    }
    %scan3A_15 = arith.constant 79 : i32
    %barrier3A_16 = arith.constant 0 : index
    tpu.barrier barrier_id(%barrier3A_16)
    %eq3A = arith.constant 0 : i32
    %eq3A_17 = arith.cmpi eq, %arg0, %eq3A : i32
    %convert_element_type3A = arith.extui %eq3A_17 : i1 to i32
    %cond3A = arith.constant 0 : i32
    %cond3A_18 = arith.cmpi ne, %convert_element_type3A, %cond3A : i32
    scf.if %cond3A_18 {
      %mul3A_24 = arith.constant 640 : i32
      %mul3A_25 = arith.muli %arg1, %mul3A_24 : i32
      %mul3A_26 = arith.constant 640 : i32
      %mul3A_27 = arith.muli %arg1, %mul3A_26 : i32
      "tpu.region"() ({
        %run_scoped3A = tpu.sem_alloc : memref<!tpu.dma_semaphore, #tpu.memory_space<semaphore_mem>>
        %dma_start3A = arith.constant 0 : i32
        %dma_start3A_28 = tpu.memref_slice %arg4[%mul3A_27, %dma_start3A] : memref<10240x128xf32, #tpu.memory_space<hbm>> -> memref<640x128xf32, #tpu.memory_space<hbm>>
        %dma_start3A_29 = arith.constant 0 : i32
        %dma_start3A_30 = tpu.memref_slice %arg8[%mul3A_25, %dma_start3A_29] : memref<10240x128xf32, #tpu.memory_space<vmem_shared>> -> memref<640x128xf32, #tpu.memory_space<vmem_shared>>
        tpu.enqueue_dma source(%dma_start3A_30 : memref<640x128xf32, #tpu.memory_space<vmem_shared>>) target(%dma_start3A_28 : memref<640x128xf32, #tpu.memory_space<hbm>>) target_semaphore(%run_scoped3A : memref<!tpu.dma_semaphore, #tpu.memory_space<semaphore_mem>>)
        %dma_wait3A = arith.constant 0 : i32
        %dma_wait3A_31 = tpu.memref_slice %arg4[%mul3A_27, %dma_wait3A] : memref<10240x128xf32, #tpu.memory_space<hbm>> -> memref<640x128xf32, #tpu.memory_space<hbm>>
        %dma_wait3A_32 = arith.constant 0 : i32
        %dma_wait3A_33 = tpu.memref_slice %arg8[%mul3A_25, %dma_wait3A_32] : memref<10240x128xf32, #tpu.memory_space<vmem_shared>> -> memref<640x128xf32, #tpu.memory_space<vmem_shared>>
        tpu.wait_dma2 semaphore(%run_scoped3A : memref<!tpu.dma_semaphore, #tpu.memory_space<semaphore_mem>>) src(%dma_wait3A_33 : memref<640x128xf32, #tpu.memory_space<vmem_shared>>) dst(%dma_wait3A_31 : memref<640x128xf32, #tpu.memory_space<hbm>>)
        tpu.yield
      }) : () -> ()
    } else {
    }
    %eq3A_19 = arith.constant 1 : i32
    %eq3A_20 = arith.cmpi eq, %arg0, %eq3A_19 : i32
    %convert_element_type3A_21 = arith.extui %eq3A_20 : i1 to i32
    %cond3A_22 = arith.constant 0 : i32
    %cond3A_23 = arith.cmpi ne, %convert_element_type3A_21, %cond3A_22 : i32
    scf.if %cond3A_23 {
      %mul3A_24 = arith.constant 640 : i32
      %mul3A_25 = arith.muli %arg1, %mul3A_24 : i32
      %mul3A_26 = arith.constant 640 : i32
      %mul3A_27 = arith.muli %arg1, %mul3A_26 : i32
      "tpu.region"() ({
        %run_scoped3A = tpu.sem_alloc : memref<!tpu.dma_semaphore, #tpu.memory_space<semaphore_mem>>
        %dma_start3A = arith.constant 0 : i32
        %dma_start3A_28 = tpu.memref_slice %arg5[%mul3A_27, %dma_start3A] : memref<10240x128xf32, #tpu.memory_space<hbm>> -> memref<640x128xf32, #tpu.memory_space<hbm>>
        %dma_start3A_29 = arith.constant 0 : i32
        %dma_start3A_30 = tpu.memref_slice %arg8[%mul3A_25, %dma_start3A_29] : memref<10240x128xf32, #tpu.memory_space<vmem_shared>> -> memref<640x128xf32, #tpu.memory_space<vmem_shared>>
        tpu.enqueue_dma source(%dma_start3A_30 : memref<640x128xf32, #tpu.memory_space<vmem_shared>>) target(%dma_start3A_28 : memref<640x128xf32, #tpu.memory_space<hbm>>) target_semaphore(%run_scoped3A : memref<!tpu.dma_semaphore, #tpu.memory_space<semaphore_mem>>)
        %dma_wait3A = arith.constant 0 : i32
        %dma_wait3A_31 = tpu.memref_slice %arg5[%mul3A_27, %dma_wait3A] : memref<10240x128xf32, #tpu.memory_space<hbm>> -> memref<640x128xf32, #tpu.memory_space<hbm>>
        %dma_wait3A_32 = arith.constant 0 : i32
        %dma_wait3A_33 = tpu.memref_slice %arg8[%mul3A_25, %dma_wait3A_32] : memref<10240x128xf32, #tpu.memory_space<vmem_shared>> -> memref<640x128xf32, #tpu.memory_space<vmem_shared>>
        tpu.wait_dma2 semaphore(%run_scoped3A : memref<!tpu.dma_semaphore, #tpu.memory_space<semaphore_mem>>) src(%dma_wait3A_33 : memref<640x128xf32, #tpu.memory_space<vmem_shared>>) dst(%dma_wait3A_31 : memref<640x128xf32, #tpu.memory_space<hbm>>)
        tpu.yield
      }) : () -> ()
    } else {
    }
    return
  }
}

#map = affine_map<(d0, d1) -> (0, 0)>
module attributes {stable_mosaic.version = 14 : i64} {
  func.func @k(%arg0: i32, %arg1: i32, %arg2: memref<10240x128xf32, #tpu.memory_space<hbm>>, %arg3: memref<5056x128xi32, #tpu.memory_space<hbm>>, %arg4: memref<10240x128xf32, #tpu.memory_space<hbm>>, %arg5: memref<10240x128xf32, #tpu.memory_space<hbm>>, %arg6: memref<2x128xi32, #tpu.memory_space<vmem>>, %arg7: memref<128x128xf32, #tpu.memory_space<vmem>>, %arg8: memref<10240x128xf32, #tpu.memory_space<vmem_shared>>, %arg9: memref<!tpu.dma_semaphore, #tpu.memory_space<semaphore_mem>>) attributes {dimension_semantics = [#tpu.dimension_semantics<core_parallel>, #tpu.dimension_semantics<subcore_parallel>], iteration_bounds = array<i64: 2, 16>, scalar_prefetch = 0 : i64, scratch_operands = 4 : i64, tpu.core_type = #tpu.core_type<sc_vector_subcore>, window_params = [{transform_indices = #map}, {transform_indices = #map}, {transform_indices = #map}, {transform_indices = #map}]} {
    %mul3A = arith.constant 2 : i32
    %mul3A_0 = arith.muli %arg1, %mul3A : i32
    %add3A = arith.addi %mul3A_0, %arg0 : i32
    %broadcast_in_dim3A = arith.constant 0.000000e+00 : f32
    %broadcast_in_dim3A_1 = vector.broadcast %broadcast_in_dim3A : f32 to vector<16xf32>
    %scan3A = arith.constant 0 : i32
    %scan3A_2 = arith.constant 128 : i32
    %scan3A_3 = arith.addi %scan3A, %scan3A_2 : i32
    %scan3A_4 = arith.constant 1 : i32
    scf.for %scan3A_24 = %scan3A to %scan3A_3 step %scan3A_4  : i32 {
      %mul3A_25 = arith.constant 1 : i32
      %mul3A_26 = arith.muli %scan3A_24, %mul3A_25 : i32
      %add3A_27 = arith.constant 0 : i32
      %add3A_28 = arith.addi %add3A_27, %mul3A_26 : i32
      %scan3A_29 = arith.constant 0 : i32
      %scan3A_30 = arith.constant 8 : i32
      %scan3A_31 = arith.addi %scan3A_29, %scan3A_30 : i32
      %scan3A_32 = arith.constant 1 : i32
      scf.for %scan3A_34 = %scan3A_29 to %scan3A_31 step %scan3A_32  : i32 {
        %mul3A_35 = arith.constant 16 : i32
        %mul3A_36 = arith.muli %scan3A_34, %mul3A_35 : i32
        %add3A_37 = arith.constant 0 : i32
        %add3A_38 = arith.addi %add3A_37, %mul3A_36 : i32
        %swap3A = arith.index_cast %add3A_28 : i32 to index
        %swap3A_39 = arith.index_cast %add3A_38 : i32 to index
        %swap3A_40 = tpu.vector_load %arg7[%swap3A, %swap3A_39] {strides = array<i32>} : memref<128x128xf32, #tpu.memory_space<vmem>>, vector<1x16xf32>,
        %swap3A_41 = vector.shape_cast %swap3A_40 : vector<1x16xf32> to vector<16xf32>
        %swap3A_42 = vector.shape_cast %broadcast_in_dim3A_1 : vector<16xf32> to vector<1x16xf32>
        tpu.vector_store %arg7[%swap3A, %swap3A_39], %swap3A_42 {strides = array<i32>} : memref<128x128xf32, #tpu.memory_space<vmem>>, vector<1x16xf32>,
      }
      %scan3A_33 = arith.constant 8 : i32
    }
    %scan3A_5 = arith.constant 128 : i32
    %scan3A_6 = arith.constant 0 : i32
    %scan3A_7 = arith.constant 5 : i32
    %scan3A_8 = arith.addi %scan3A_6, %scan3A_7 : i32
    %scan3A_9 = arith.constant 1 : i32
    scf.for %scan3A_24 = %scan3A_6 to %scan3A_8 step %scan3A_9  : i32 {
      %mul3A_25 = arith.constant 128 : i32
      %mul3A_26 = arith.muli %scan3A_24, %mul3A_25 : i32
      %add3A_27 = arith.constant 0 : i32
      %add3A_28 = arith.addi %add3A_27, %mul3A_26 : i32
      %mul3A_29 = arith.constant 640 : i32
      %mul3A_30 = arith.muli %arg1, %mul3A_29 : i32
      %add3A_31 = arith.addi %mul3A_30, %add3A_28 : i32
      "tpu.region"() ({
        %run_scoped3A = tpu.sem_alloc : memref<!tpu.dma_semaphore, #tpu.memory_space<semaphore_mem>>
        %dma_start3A = arith.constant 0 : i32
        %dma_start3A_32 = tpu.memref_slice %arg8[%add3A_31, %dma_start3A] : memref<10240x128xf32, #tpu.memory_space<vmem_shared>> -> memref<128x128xf32, #tpu.memory_space<vmem_shared>>
        %dma_start3A_33 = arith.constant 0 : i32
        %dma_start3A_34 = tpu.memref_slice %arg8[%add3A_31, %dma_start3A_33] : memref<10240x128xf32, #tpu.memory_space<vmem_shared>> -> memref<128x128xf32, #tpu.memory_space<vmem_shared>>
        tpu.enqueue_dma source(%arg7 : memref<128x128xf32, #tpu.memory_space<vmem>>) target(%dma_start3A_34 : memref<128x128xf32, #tpu.memory_space<vmem_shared>>) target_semaphore(%run_scoped3A : memref<!tpu.dma_semaphore, #tpu.memory_space<semaphore_mem>>)
        %dma_wait3A = arith.constant 0 : i32
        %dma_wait3A_35 = tpu.memref_slice %arg8[%add3A_31, %dma_wait3A] : memref<10240x128xf32, #tpu.memory_space<vmem_shared>> -> memref<128x128xf32, #tpu.memory_space<vmem_shared>>
        %dma_wait3A_36 = arith.constant 0 : i32
        %dma_wait3A_37 = tpu.memref_slice %arg8[%add3A_31, %dma_wait3A_36] : memref<10240x128xf32, #tpu.memory_space<vmem_shared>> -> memref<128x128xf32, #tpu.memory_space<vmem_shared>>
        tpu.wait_dma2 semaphore(%run_scoped3A : memref<!tpu.dma_semaphore, #tpu.memory_space<semaphore_mem>>) src(%arg7 : memref<128x128xf32, #tpu.memory_space<vmem>>) dst(%dma_wait3A_37 : memref<128x128xf32, #tpu.memory_space<vmem_shared>>)
        tpu.yield
      }) : () -> ()
    }
    %scan3A_10 = arith.constant 5 : i32
    %barrier3A = arith.constant 0 : index
    tpu.barrier barrier_id(%barrier3A)
    %scan3A_11 = arith.constant 0 : i32
    %scan3A_12 = arith.constant 79 : i32
    %scan3A_13 = arith.addi %scan3A_11, %scan3A_12 : i32
    %scan3A_14 = arith.constant 1 : i32
    scf.for %scan3A_24 = %scan3A_11 to %scan3A_13 step %scan3A_14  : i32 {
      %mul3A_25 = arith.constant 1 : i32
      %mul3A_26 = arith.muli %scan3A_24, %mul3A_25 : i32
      %add3A_27 = arith.constant 0 : i32
      %add3A_28 = arith.addi %add3A_27, %mul3A_26 : i32
      %mul3A_29 = arith.constant 79 : i32
      %mul3A_30 = arith.muli %add3A, %mul3A_29 : i32
      %add3A_31 = arith.addi %mul3A_30, %add3A_28 : i32
      %mul3A_32 = arith.constant 2 : i32
      %mul3A_33 = arith.muli %add3A_31, %mul3A_32 : i32
      "tpu.region"() ({
        %run_scoped3A = tpu.sem_alloc : memref<!tpu.dma_semaphore, #tpu.memory_space<semaphore_mem>>
        %dma_start3A_60 = arith.constant 0 : i32
        %dma_start3A_61 = tpu.memref_slice %arg3[%mul3A_33, %dma_start3A_60] : memref<5056x128xi32, #tpu.memory_space<hbm>> -> memref<2x128xi32, #tpu.memory_space<hbm>>
        %dma_start3A_62 = arith.constant 0 : i32
        %dma_start3A_63 = tpu.memref_slice %arg3[%mul3A_33, %dma_start3A_62] : memref<5056x128xi32, #tpu.memory_space<hbm>> -> memref<2x128xi32, #tpu.memory_space<hbm>>
        tpu.enqueue_dma source(%dma_start3A_63 : memref<2x128xi32, #tpu.memory_space<hbm>>) target(%arg6 : memref<2x128xi32, #tpu.memory_space<vmem>>) target_semaphore(%run_scoped3A : memref<!tpu.dma_semaphore, #tpu.memory_space<semaphore_mem>>)
        %dma_wait3A_64 = arith.constant 0 : i32
        %dma_wait3A_65 = tpu.memref_slice %arg3[%mul3A_33, %dma_wait3A_64] : memref<5056x128xi32, #tpu.memory_space<hbm>> -> memref<2x128xi32, #tpu.memory_space<hbm>>
        %dma_wait3A_66 = arith.constant 0 : i32
        %dma_wait3A_67 = tpu.memref_slice %arg3[%mul3A_33, %dma_wait3A_66] : memref<5056x128xi32, #tpu.memory_space<hbm>> -> memref<2x128xi32, #tpu.memory_space<hbm>>
        tpu.wait_dma2 semaphore(%run_scoped3A : memref<!tpu.dma_semaphore, #tpu.memory_space<semaphore_mem>>) src(%dma_wait3A_67 : memref<2x128xi32, #tpu.memory_space<hbm>>) dst(%arg6 : memref<2x128xi32, #tpu.memory_space<vmem>>)
        tpu.yield
      }) : () -> ()
      %dma_start3A = arith.constant 0 : i32
      %dma_start3A_34 = arith.constant 0 : i32
      %dma_start3A_35 = tpu.memref_slice %arg6[%dma_start3A, %dma_start3A_34] : memref<2x128xi32, #tpu.memory_space<vmem>> -> memref<1x128xi32, #tpu.memory_space<vmem>>
      %dma_start3A_36 = tpu.memref_squeeze %dma_start3A_35 : memref<1x128xi32, #tpu.memory_space<vmem>> -> memref<128xi32, #tpu.memory_space<vmem>>
      %dma_start3A_37 = arith.constant 0 : i32
      %dma_start3A_38 = arith.constant 0 : i32
      %dma_start3A_39 = tpu.memref_slice %arg2[%dma_start3A_37, %dma_start3A_38] : memref<10240x128xf32, #tpu.memory_space<hbm>> -> memref<10240x128xf32, #tpu.memory_space<hbm>>
      tpu.enqueue_indirect_dma source(%dma_start3A_39 : memref<10240x128xf32, #tpu.memory_space<hbm>>) target(%arg7 : memref<128x128xf32, #tpu.memory_space<vmem>>) offsets(%dma_start3A_36 : memref<128xi32, #tpu.memory_space<vmem>>) semaphore(%arg9 : memref<!tpu.dma_semaphore, #tpu.memory_space<semaphore_mem>>)
      %dma_wait3A = arith.constant 0 : i32
      %dma_wait3A_40 = arith.constant 0 : i32
      %dma_wait3A_41 = tpu.memref_slice %arg6[%dma_wait3A, %dma_wait3A_40] : memref<2x128xi32, #tpu.memory_space<vmem>> -> memref<1x128xi32, #tpu.memory_space<vmem>>
      %dma_wait3A_42 = tpu.memref_squeeze %dma_wait3A_41 : memref<1x128xi32, #tpu.memory_space<vmem>> -> memref<128xi32, #tpu.memory_space<vmem>>
      %dma_wait3A_43 = arith.constant 0 : i32
      %dma_wait3A_44 = arith.constant 0 : i32
      %dma_wait3A_45 = tpu.memref_slice %arg2[%dma_wait3A_43, %dma_wait3A_44] : memref<10240x128xf32, #tpu.memory_space<hbm>> -> memref<10240x128xf32, #tpu.memory_space<hbm>>
      tpu.wait_indirect_dma semaphore(%arg9 : memref<!tpu.dma_semaphore, #tpu.memory_space<semaphore_mem>>) src(%dma_wait3A_45 : memref<10240x128xf32, #tpu.memory_space<hbm>>) dst(%arg7 : memref<128x128xf32, #tpu.memory_space<vmem>>)
      %dma_start3A_46 = arith.constant 1 : i32
      %dma_start3A_47 = arith.constant 0 : i32
      %dma_start3A_48 = tpu.memref_slice %arg6[%dma_start3A_46, %dma_start3A_47] : memref<2x128xi32, #tpu.memory_space<vmem>> -> memref<1x128xi32, #tpu.memory_space<vmem>>
      %dma_start3A_49 = tpu.memref_squeeze %dma_start3A_48 : memref<1x128xi32, #tpu.memory_space<vmem>> -> memref<128xi32, #tpu.memory_space<vmem>>
      %dma_start3A_50 = arith.constant 0 : i32
      %dma_start3A_51 = arith.constant 0 : i32
      %dma_start3A_52 = tpu.memref_slice %arg8[%dma_start3A_50, %dma_start3A_51] : memref<10240x128xf32, #tpu.memory_space<vmem_shared>> -> memref<10240x128xf32, #tpu.memory_space<vmem_shared>>
      tpu.enqueue_indirect_dma source(%arg7 : memref<128x128xf32, #tpu.memory_space<vmem>>) target(%dma_start3A_52 : memref<10240x128xf32, #tpu.memory_space<vmem_shared>>) offsets(%dma_start3A_49 : memref<128xi32, #tpu.memory_space<vmem>>) semaphore(%arg9 : memref<!tpu.dma_semaphore, #tpu.memory_space<semaphore_mem>>) {add = true}
      %dma_wait3A_53 = arith.constant 1 : i32
      %dma_wait3A_54 = arith.constant 0 : i32
      %dma_wait3A_55 = tpu.memref_slice %arg6[%dma_wait3A_53, %dma_wait3A_54] : memref<2x128xi32, #tpu.memory_space<vmem>> -> memref<1x128xi32, #tpu.memory_space<vmem>>
      %dma_wait3A_56 = tpu.memref_squeeze %dma_wait3A_55 : memref<1x128xi32, #tpu.memory_space<vmem>> -> memref<128xi32, #tpu.memory_space<vmem>>
      %dma_wait3A_57 = arith.constant 0 : i32
      %dma_wait3A_58 = arith.constant 0 : i32
      %dma_wait3A_59 = tpu.memref_slice %arg8[%dma_wait3A_57, %dma_wait3A_58] : memref<10240x128xf32, #tpu.memory_space<vmem_shared>> -> memref<10240x128xf32, #tpu.memory_space<vmem_shared>>
      tpu.wait_indirect_dma semaphore(%arg9 : memref<!tpu.dma_semaphore, #tpu.memory_space<semaphore_mem>>) src(%arg7 : memref<128x128xf32, #tpu.memory_space<vmem>>) dst(%dma_wait3A_59 : memref<10240x128xf32, #tpu.memory_space<vmem_shared>>)
    }
    %scan3A_15 = arith.constant 79 : i32
    %barrier3A_16 = arith.constant 0 : index
    tpu.barrier barrier_id(%barrier3A_16)
    %eq3A = arith.constant 0 : i32
    %eq3A_17 = arith.cmpi eq, %arg0, %eq3A : i32
    %convert_element_type3A = arith.extui %eq3A_17 : i1 to i32
    %cond3A = arith.constant 0 : i32
    %cond3A_18 = arith.cmpi ne, %convert_element_type3A, %cond3A : i32
    scf.if %cond3A_18 {
      %mul3A_24 = arith.constant 640 : i32
      %mul3A_25 = arith.muli %arg1, %mul3A_24 : i32
      %mul3A_26 = arith.constant 640 : i32
      %mul3A_27 = arith.muli %arg1, %mul3A_26 : i32
      "tpu.region"() ({
        %run_scoped3A = tpu.sem_alloc : memref<!tpu.dma_semaphore, #tpu.memory_space<semaphore_mem>>
        %dma_start3A = arith.constant 0 : i32
        %dma_start3A_28 = tpu.memref_slice %arg4[%mul3A_27, %dma_start3A] : memref<10240x128xf32, #tpu.memory_space<hbm>> -> memref<640x128xf32, #tpu.memory_space<hbm>>
        %dma_start3A_29 = arith.constant 0 : i32
        %dma_start3A_30 = tpu.memref_slice %arg8[%mul3A_25, %dma_start3A_29] : memref<10240x128xf32, #tpu.memory_space<vmem_shared>> -> memref<640x128xf32, #tpu.memory_space<vmem_shared>>
        tpu.enqueue_dma source(%dma_start3A_30 : memref<640x128xf32, #tpu.memory_space<vmem_shared>>) target(%dma_start3A_28 : memref<640x128xf32, #tpu.memory_space<hbm>>) target_semaphore(%run_scoped3A : memref<!tpu.dma_semaphore, #tpu.memory_space<semaphore_mem>>)
        %dma_wait3A = arith.constant 0 : i32
        %dma_wait3A_31 = tpu.memref_slice %arg4[%mul3A_27, %dma_wait3A] : memref<10240x128xf32, #tpu.memory_space<hbm>> -> memref<640x128xf32, #tpu.memory_space<hbm>>
        %dma_wait3A_32 = arith.constant 0 : i32
        %dma_wait3A_33 = tpu.memref_slice %arg8[%mul3A_25, %dma_wait3A_32] : memref<10240x128xf32, #tpu.memory_space<vmem_shared>> -> memref<640x128xf32, #tpu.memory_space<vmem_shared>>
        tpu.wait_dma2 semaphore(%run_scoped3A : memref<!tpu.dma_semaphore, #tpu.memory_space<semaphore_mem>>) src(%dma_wait3A_33 : memref<640x128xf32, #tpu.memory_space<vmem_shared>>) dst(%dma_wait3A_31 : memref<640x128xf32, #tpu.memory_space<hbm>>)
        tpu.yield
      }) : () -> ()
    } else {
    }
    %eq3A_19 = arith.constant 1 : i32
    %eq3A_20 = arith.cmpi eq, %arg0, %eq3A_19 : i32
    %convert_element_type3A_21 = arith.extui %eq3A_20 : i1 to i32
    %cond3A_22 = arith.constant 0 : i32
    %cond3A_23 = arith.cmpi ne, %convert_element_type3A_21, %cond3A_22 : i32
    scf.if %cond3A_23 {
      %mul3A_24 = arith.constant 640 : i32
      %mul3A_25 = arith.muli %arg1, %mul3A_24 : i32
      %mul3A_26 = arith.constant 640 : i32
      %mul3A_27 = arith.muli %arg1, %mul3A_26 : i32
      "tpu.region"() ({
        %run_scoped3A = tpu.sem_alloc : memref<!tpu.dma_semaphore, #tpu.memory_space<semaphore_mem>>
        %dma_start3A = arith.constant 0 : i32
        %dma_start3A_28 = tpu.memref_slice %arg5[%mul3A_27, %dma_start3A] : memref<10240x128xf32, #tpu.memory_space<hbm>> -> memref<640x128xf32, #tpu.memory_space<hbm>>
        %dma_start3A_29 = arith.constant 0 : i32
        %dma_start3A_30 = tpu.memref_slice %arg8[%mul3A_25, %dma_start3A_29] : memref<10240x128xf32, #tpu.memory_space<vmem_shared>> -> memref<640x128xf32, #tpu.memory_space<vmem_shared>>
        tpu.enqueue_dma source(%dma_start3A_30 : memref<640x128xf32, #tpu.memory_space<vmem_shared>>) target(%dma_start3A_28 : memref<640x128xf32, #tpu.memory_space<hbm>>) target_semaphore(%run_scoped3A : memref<!tpu.dma_semaphore, #tpu.memory_space<semaphore_mem>>)
        %dma_wait3A = arith.constant 0 : i32
        %dma_wait3A_31 = tpu.memref_slice %arg5[%mul3A_27, %dma_wait3A] : memref<10240x128xf32, #tpu.memory_space<hbm>> -> memref<640x128xf32, #tpu.memory_space<hbm>>
        %dma_wait3A_32 = arith.constant 0 : i32
        %dma_wait3A_33 = tpu.memref_slice %arg8[%mul3A_25, %dma_wait3A_32] : memref<10240x128xf32, #tpu.memory_space<vmem_shared>> -> memref<640x128xf32, #tpu.memory_space<vmem_shared>>
        tpu.wait_dma2 semaphore(%run_scoped3A : memref<!tpu.dma_semaphore, #tpu.memory_space<semaphore_mem>>) src(%dma_wait3A_33 : memref<640x128xf32, #tpu.memory_space<vmem_shared>>) dst(%dma_wait3A_31 : memref<640x128xf32, #tpu.memory_space<hbm>>)
        tpu.yield
      }) : () -> ()
    } else {
    }
    return
  }
}

#map = affine_map<(d0, d1) -> (0, 0)>
module attributes {stable_mosaic.version = 14 : i64} {
  func.func @k(%arg0: i32, %arg1: i32, %arg2: memref<10240x128xf32, #tpu.memory_space<hbm>>, %arg3: memref<5056x128xi32, #tpu.memory_space<hbm>>, %arg4: memref<10240x128xf32, #tpu.memory_space<hbm>>, %arg5: memref<10240x128xf32, #tpu.memory_space<hbm>>, %arg6: memref<2x128xi32, #tpu.memory_space<vmem>>, %arg7: memref<128x128xf32, #tpu.memory_space<vmem>>, %arg8: memref<10240x128xf32, #tpu.memory_space<vmem_shared>>, %arg9: memref<!tpu.dma_semaphore, #tpu.memory_space<semaphore_mem>>) attributes {dimension_semantics = [#tpu.dimension_semantics<core_parallel>, #tpu.dimension_semantics<subcore_parallel>], iteration_bounds = array<i64: 2, 16>, scalar_prefetch = 0 : i64, scratch_operands = 4 : i64, tpu.core_type = #tpu.core_type<sc_vector_subcore>, window_params = [{transform_indices = #map}, {transform_indices = #map}, {transform_indices = #map}, {transform_indices = #map}]} {
    %mul3A = arith.constant 2 : i32
    %mul3A_0 = arith.muli %arg1, %mul3A : i32
    %add3A = arith.addi %mul3A_0, %arg0 : i32
    %broadcast_in_dim3A = arith.constant 0.000000e+00 : f32
    %broadcast_in_dim3A_1 = vector.broadcast %broadcast_in_dim3A : f32 to vector<16xf32>
    %scan3A = arith.constant 0 : i32
    %scan3A_2 = arith.constant 128 : i32
    %scan3A_3 = arith.addi %scan3A, %scan3A_2 : i32
    %scan3A_4 = arith.constant 1 : i32
    scf.for %scan3A_24 = %scan3A to %scan3A_3 step %scan3A_4  : i32 {
      %mul3A_25 = arith.constant 1 : i32
      %mul3A_26 = arith.muli %scan3A_24, %mul3A_25 : i32
      %add3A_27 = arith.constant 0 : i32
      %add3A_28 = arith.addi %add3A_27, %mul3A_26 : i32
      %scan3A_29 = arith.constant 0 : i32
      %scan3A_30 = arith.constant 8 : i32
      %scan3A_31 = arith.addi %scan3A_29, %scan3A_30 : i32
      %scan3A_32 = arith.constant 1 : i32
      scf.for %scan3A_34 = %scan3A_29 to %scan3A_31 step %scan3A_32  : i32 {
        %mul3A_35 = arith.constant 16 : i32
        %mul3A_36 = arith.muli %scan3A_34, %mul3A_35 : i32
        %add3A_37 = arith.constant 0 : i32
        %add3A_38 = arith.addi %add3A_37, %mul3A_36 : i32
        %swap3A = arith.index_cast %add3A_28 : i32 to index
        %swap3A_39 = arith.index_cast %add3A_38 : i32 to index
        %swap3A_40 = tpu.vector_load %arg7[%swap3A, %swap3A_39] {strides = array<i32>} : memref<128x128xf32, #tpu.memory_space<vmem>>, vector<1x16xf32>,
        %swap3A_41 = vector.shape_cast %swap3A_40 : vector<1x16xf32> to vector<16xf32>
        %swap3A_42 = vector.shape_cast %broadcast_in_dim3A_1 : vector<16xf32> to vector<1x16xf32>
        tpu.vector_store %arg7[%swap3A, %swap3A_39], %swap3A_42 {strides = array<i32>} : memref<128x128xf32, #tpu.memory_space<vmem>>, vector<1x16xf32>,
      }
      %scan3A_33 = arith.constant 8 : i32
    }
    %scan3A_5 = arith.constant 128 : i32
    %scan3A_6 = arith.constant 0 : i32
    %scan3A_7 = arith.constant 5 : i32
    %scan3A_8 = arith.addi %scan3A_6, %scan3A_7 : i32
    %scan3A_9 = arith.constant 1 : i32
    scf.for %scan3A_24 = %scan3A_6 to %scan3A_8 step %scan3A_9  : i32 {
      %mul3A_25 = arith.constant 128 : i32
      %mul3A_26 = arith.muli %scan3A_24, %mul3A_25 : i32
      %add3A_27 = arith.constant 0 : i32
      %add3A_28 = arith.addi %add3A_27, %mul3A_26 : i32
      %mul3A_29 = arith.constant 640 : i32
      %mul3A_30 = arith.muli %arg1, %mul3A_29 : i32
      %add3A_31 = arith.addi %mul3A_30, %add3A_28 : i32
      "tpu.region"() ({
        %run_scoped3A = tpu.sem_alloc : memref<!tpu.dma_semaphore, #tpu.memory_space<semaphore_mem>>
        %dma_start3A = arith.constant 0 : i32
        %dma_start3A_32 = tpu.memref_slice %arg8[%add3A_31, %dma_start3A] : memref<10240x128xf32, #tpu.memory_space<vmem_shared>> -> memref<128x128xf32, #tpu.memory_space<vmem_shared>>
        %dma_start3A_33 = arith.constant 0 : i32
        %dma_start3A_34 = tpu.memref_slice %arg8[%add3A_31, %dma_start3A_33] : memref<10240x128xf32, #tpu.memory_space<vmem_shared>> -> memref<128x128xf32, #tpu.memory_space<vmem_shared>>
        tpu.enqueue_dma source(%arg7 : memref<128x128xf32, #tpu.memory_space<vmem>>) target(%dma_start3A_34 : memref<128x128xf32, #tpu.memory_space<vmem_shared>>) target_semaphore(%run_scoped3A : memref<!tpu.dma_semaphore, #tpu.memory_space<semaphore_mem>>)
        %dma_wait3A = arith.constant 0 : i32
        %dma_wait3A_35 = tpu.memref_slice %arg8[%add3A_31, %dma_wait3A] : memref<10240x128xf32, #tpu.memory_space<vmem_shared>> -> memref<128x128xf32, #tpu.memory_space<vmem_shared>>
        %dma_wait3A_36 = arith.constant 0 : i32
        %dma_wait3A_37 = tpu.memref_slice %arg8[%add3A_31, %dma_wait3A_36] : memref<10240x128xf32, #tpu.memory_space<vmem_shared>> -> memref<128x128xf32, #tpu.memory_space<vmem_shared>>
        tpu.wait_dma2 semaphore(%run_scoped3A : memref<!tpu.dma_semaphore, #tpu.memory_space<semaphore_mem>>) src(%arg7 : memref<128x128xf32, #tpu.memory_space<vmem>>) dst(%dma_wait3A_37 : memref<128x128xf32, #tpu.memory_space<vmem_shared>>)
        tpu.yield
      }) : () -> ()
    }
    %scan3A_10 = arith.constant 5 : i32
    %barrier3A = arith.constant 0 : index
    tpu.barrier barrier_id(%barrier3A)
    %scan3A_11 = arith.constant 0 : i32
    %scan3A_12 = arith.constant 79 : i32
    %scan3A_13 = arith.addi %scan3A_11, %scan3A_12 : i32
    %scan3A_14 = arith.constant 1 : i32
    scf.for %scan3A_24 = %scan3A_11 to %scan3A_13 step %scan3A_14  : i32 {
      %mul3A_25 = arith.constant 1 : i32
      %mul3A_26 = arith.muli %scan3A_24, %mul3A_25 : i32
      %add3A_27 = arith.constant 0 : i32
      %add3A_28 = arith.addi %add3A_27, %mul3A_26 : i32
      %mul3A_29 = arith.constant 79 : i32
      %mul3A_30 = arith.muli %add3A, %mul3A_29 : i32
      %add3A_31 = arith.addi %mul3A_30, %add3A_28 : i32
      %mul3A_32 = arith.constant 2 : i32
      %mul3A_33 = arith.muli %add3A_31, %mul3A_32 : i32
      "tpu.region"() ({
        %run_scoped3A = tpu.sem_alloc : memref<!tpu.dma_semaphore, #tpu.memory_space<semaphore_mem>>
        %dma_start3A_60 = arith.constant 0 : i32
        %dma_start3A_61 = tpu.memref_slice %arg3[%mul3A_33, %dma_start3A_60] : memref<5056x128xi32, #tpu.memory_space<hbm>> -> memref<2x128xi32, #tpu.memory_space<hbm>>
        %dma_start3A_62 = arith.constant 0 : i32
        %dma_start3A_63 = tpu.memref_slice %arg3[%mul3A_33, %dma_start3A_62] : memref<5056x128xi32, #tpu.memory_space<hbm>> -> memref<2x128xi32, #tpu.memory_space<hbm>>
        tpu.enqueue_dma source(%dma_start3A_63 : memref<2x128xi32, #tpu.memory_space<hbm>>) target(%arg6 : memref<2x128xi32, #tpu.memory_space<vmem>>) target_semaphore(%run_scoped3A : memref<!tpu.dma_semaphore, #tpu.memory_space<semaphore_mem>>)
        %dma_wait3A_64 = arith.constant 0 : i32
        %dma_wait3A_65 = tpu.memref_slice %arg3[%mul3A_33, %dma_wait3A_64] : memref<5056x128xi32, #tpu.memory_space<hbm>> -> memref<2x128xi32, #tpu.memory_space<hbm>>
        %dma_wait3A_66 = arith.constant 0 : i32
        %dma_wait3A_67 = tpu.memref_slice %arg3[%mul3A_33, %dma_wait3A_66] : memref<5056x128xi32, #tpu.memory_space<hbm>> -> memref<2x128xi32, #tpu.memory_space<hbm>>
        tpu.wait_dma2 semaphore(%run_scoped3A : memref<!tpu.dma_semaphore, #tpu.memory_space<semaphore_mem>>) src(%dma_wait3A_67 : memref<2x128xi32, #tpu.memory_space<hbm>>) dst(%arg6 : memref<2x128xi32, #tpu.memory_space<vmem>>)
        tpu.yield
      }) : () -> ()
      %dma_start3A = arith.constant 0 : i32
      %dma_start3A_34 = arith.constant 0 : i32
      %dma_start3A_35 = tpu.memref_slice %arg6[%dma_start3A, %dma_start3A_34] : memref<2x128xi32, #tpu.memory_space<vmem>> -> memref<1x128xi32, #tpu.memory_space<vmem>>
      %dma_start3A_36 = tpu.memref_squeeze %dma_start3A_35 : memref<1x128xi32, #tpu.memory_space<vmem>> -> memref<128xi32, #tpu.memory_space<vmem>>
      %dma_start3A_37 = arith.constant 0 : i32
      %dma_start3A_38 = arith.constant 0 : i32
      %dma_start3A_39 = tpu.memref_slice %arg2[%dma_start3A_37, %dma_start3A_38] : memref<10240x128xf32, #tpu.memory_space<hbm>> -> memref<10240x128xf32, #tpu.memory_space<hbm>>
      tpu.enqueue_indirect_dma source(%dma_start3A_39 : memref<10240x128xf32, #tpu.memory_space<hbm>>) target(%arg7 : memref<128x128xf32, #tpu.memory_space<vmem>>) offsets(%dma_start3A_36 : memref<128xi32, #tpu.memory_space<vmem>>) semaphore(%arg9 : memref<!tpu.dma_semaphore, #tpu.memory_space<semaphore_mem>>)
      %dma_wait3A = arith.constant 0 : i32
      %dma_wait3A_40 = arith.constant 0 : i32
      %dma_wait3A_41 = tpu.memref_slice %arg6[%dma_wait3A, %dma_wait3A_40] : memref<2x128xi32, #tpu.memory_space<vmem>> -> memref<1x128xi32, #tpu.memory_space<vmem>>
      %dma_wait3A_42 = tpu.memref_squeeze %dma_wait3A_41 : memref<1x128xi32, #tpu.memory_space<vmem>> -> memref<128xi32, #tpu.memory_space<vmem>>
      %dma_wait3A_43 = arith.constant 0 : i32
      %dma_wait3A_44 = arith.constant 0 : i32
      %dma_wait3A_45 = tpu.memref_slice %arg2[%dma_wait3A_43, %dma_wait3A_44] : memref<10240x128xf32, #tpu.memory_space<hbm>> -> memref<10240x128xf32, #tpu.memory_space<hbm>>
      tpu.wait_indirect_dma semaphore(%arg9 : memref<!tpu.dma_semaphore, #tpu.memory_space<semaphore_mem>>) src(%dma_wait3A_45 : memref<10240x128xf32, #tpu.memory_space<hbm>>) dst(%arg7 : memref<128x128xf32, #tpu.memory_space<vmem>>)
      %dma_start3A_46 = arith.constant 1 : i32
      %dma_start3A_47 = arith.constant 0 : i32
      %dma_start3A_48 = tpu.memref_slice %arg6[%dma_start3A_46, %dma_start3A_47] : memref<2x128xi32, #tpu.memory_space<vmem>> -> memref<1x128xi32, #tpu.memory_space<vmem>>
      %dma_start3A_49 = tpu.memref_squeeze %dma_start3A_48 : memref<1x128xi32, #tpu.memory_space<vmem>> -> memref<128xi32, #tpu.memory_space<vmem>>
      %dma_start3A_50 = arith.constant 0 : i32
      %dma_start3A_51 = arith.constant 0 : i32
      %dma_start3A_52 = tpu.memref_slice %arg8[%dma_start3A_50, %dma_start3A_51] : memref<10240x128xf32, #tpu.memory_space<vmem_shared>> -> memref<10240x128xf32, #tpu.memory_space<vmem_shared>>
      tpu.enqueue_indirect_dma source(%arg7 : memref<128x128xf32, #tpu.memory_space<vmem>>) target(%dma_start3A_52 : memref<10240x128xf32, #tpu.memory_space<vmem_shared>>) offsets(%dma_start3A_49 : memref<128xi32, #tpu.memory_space<vmem>>) semaphore(%arg9 : memref<!tpu.dma_semaphore, #tpu.memory_space<semaphore_mem>>) {add = true}
      %dma_wait3A_53 = arith.constant 1 : i32
      %dma_wait3A_54 = arith.constant 0 : i32
      %dma_wait3A_55 = tpu.memref_slice %arg6[%dma_wait3A_53, %dma_wait3A_54] : memref<2x128xi32, #tpu.memory_space<vmem>> -> memref<1x128xi32, #tpu.memory_space<vmem>>
      %dma_wait3A_56 = tpu.memref_squeeze %dma_wait3A_55 : memref<1x128xi32, #tpu.memory_space<vmem>> -> memref<128xi32, #tpu.memory_space<vmem>>
      %dma_wait3A_57 = arith.constant 0 : i32
      %dma_wait3A_58 = arith.constant 0 : i32
      %dma_wait3A_59 = tpu.memref_slice %arg8[%dma_wait3A_57, %dma_wait3A_58] : memref<10240x128xf32, #tpu.memory_space<vmem_shared>> -> memref<10240x128xf32, #tpu.memory_space<vmem_shared>>
      tpu.wait_indirect_dma semaphore(%arg9 : memref<!tpu.dma_semaphore, #tpu.memory_space<semaphore_mem>>) src(%arg7 : memref<128x128xf32, #tpu.memory_space<vmem>>) dst(%dma_wait3A_59 : memref<10240x128xf32, #tpu.memory_space<vmem_shared>>)
    }
    %scan3A_15 = arith.constant 79 : i32
    %barrier3A_16 = arith.constant 0 : index
    tpu.barrier barrier_id(%barrier3A_16)
    %eq3A = arith.constant 0 : i32
    %eq3A_17 = arith.cmpi eq, %arg0, %eq3A : i32
    %convert_element_type3A = arith.extui %eq3A_17 : i1 to i32
    %cond3A = arith.constant 0 : i32
    %cond3A_18 = arith.cmpi ne, %convert_element_type3A, %cond3A : i32
    scf.if %cond3A_18 {
      %mul3A_24 = arith.constant 640 : i32
      %mul3A_25 = arith.muli %arg1, %mul3A_24 : i32
      %mul3A_26 = arith.constant 640 : i32
      %mul3A_27 = arith.muli %arg1, %mul3A_26 : i32
      "tpu.region"() ({
        %run_scoped3A = tpu.sem_alloc : memref<!tpu.dma_semaphore, #tpu.memory_space<semaphore_mem>>
        %dma_start3A = arith.constant 0 : i32
        %dma_start3A_28 = tpu.memref_slice %arg4[%mul3A_27, %dma_start3A] : memref<10240x128xf32, #tpu.memory_space<hbm>> -> memref<640x128xf32, #tpu.memory_space<hbm>>
        %dma_start3A_29 = arith.constant 0 : i32
        %dma_start3A_30 = tpu.memref_slice %arg8[%mul3A_25, %dma_start3A_29] : memref<10240x128xf32, #tpu.memory_space<vmem_shared>> -> memref<640x128xf32, #tpu.memory_space<vmem_shared>>
        tpu.enqueue_dma source(%dma_start3A_30 : memref<640x128xf32, #tpu.memory_space<vmem_shared>>) target(%dma_start3A_28 : memref<640x128xf32, #tpu.memory_space<hbm>>) target_semaphore(%run_scoped3A : memref<!tpu.dma_semaphore, #tpu.memory_space<semaphore_mem>>)
        %dma_wait3A = arith.constant 0 : i32
        %dma_wait3A_31 = tpu.memref_slice %arg4[%mul3A_27, %dma_wait3A] : memref<10240x128xf32, #tpu.memory_space<hbm>> -> memref<640x128xf32, #tpu.memory_space<hbm>>
        %dma_wait3A_32 = arith.constant 0 : i32
        %dma_wait3A_33 = tpu.memref_slice %arg8[%mul3A_25, %dma_wait3A_32] : memref<10240x128xf32, #tpu.memory_space<vmem_shared>> -> memref<640x128xf32, #tpu.memory_space<vmem_shared>>
        tpu.wait_dma2 semaphore(%run_scoped3A : memref<!tpu.dma_semaphore, #tpu.memory_space<semaphore_mem>>) src(%dma_wait3A_33 : memref<640x128xf32, #tpu.memory_space<vmem_shared>>) dst(%dma_wait3A_31 : memref<640x128xf32, #tpu.memory_space<hbm>>)
        tpu.yield
      }) : () -> ()
    } else {
    }
    %eq3A_19 = arith.constant 1 : i32
    %eq3A_20 = arith.cmpi eq, %arg0, %eq3A_19 : i32
    %convert_element_type3A_21 = arith.extui %eq3A_20 : i1 to i32
    %cond3A_22 = arith.constant 0 : i32
    %cond3A_23 = arith.cmpi ne, %convert_element_type3A_21, %cond3A_22 : i32
    scf.if %cond3A_23 {
      %mul3A_24 = arith.constant 640 : i32
      %mul3A_25 = arith.muli %arg1, %mul3A_24 : i32
      %mul3A_26 = arith.constant 640 : i32
      %mul3A_27 = arith.muli %arg1, %mul3A_26 : i32
      "tpu.region"() ({
        %run_scoped3A = tpu.sem_alloc : memref<!tpu.dma_semaphore, #tpu.memory_space<semaphore_mem>>
        %dma_start3A = arith.constant 0 : i32
        %dma_start3A_28 = tpu.memref_slice %arg5[%mul3A_27, %dma_start3A] : memref<10240x128xf32, #tpu.memory_space<hbm>> -> memref<640x128xf32, #tpu.memory_space<hbm>>
        %dma_start3A_29 = arith.constant 0 : i32
        %dma_start3A_30 = tpu.memref_slice %arg8[%mul3A_25, %dma_start3A_29] : memref<10240x128xf32, #tpu.memory_space<vmem_shared>> -> memref<640x128xf32, #tpu.memory_space<vmem_shared>>
        tpu.enqueue_dma source(%dma_start3A_30 : memref<640x128xf32, #tpu.memory_space<vmem_shared>>) target(%dma_start3A_28 : memref<640x128xf32, #tpu.memory_space<hbm>>) target_semaphore(%run_scoped3A : memref<!tpu.dma_semaphore, #tpu.memory_space<semaphore_mem>>)
        %dma_wait3A = arith.constant 0 : i32
        %dma_wait3A_31 = tpu.memref_slice %arg5[%mul3A_27, %dma_wait3A] : memref<10240x128xf32, #tpu.memory_space<hbm>> -> memref<640x128xf32, #tpu.memory_space<hbm>>
        %dma_wait3A_32 = arith.constant 0 : i32
        %dma_wait3A_33 = tpu.memref_slice %arg8[%mul3A_25, %dma_wait3A_32] : memref<10240x128xf32, #tpu.memory_space<vmem_shared>> -> memref<640x128xf32, #tpu.memory_space<vmem_shared>>
        tpu.wait_dma2 semaphore(%run_scoped3A : memref<!tpu.dma_semaphore, #tpu.memory_space<semaphore_mem>>) src(%dma_wait3A_33 : memref<640x128xf32, #tpu.memory_space<vmem_shared>>) dst(%dma_wait3A_31 : memref<640x128xf32, #tpu.memory_space<hbm>>)
        tpu.yield
      }) : () -> ()
    } else {
    }
    return
  }
}

module attributes {stable_mosaic.version = 14 : i64} {
  func.func @body(%arg0: i32, %arg1: memref<32x128xf32, #tpu.memory_space<vmem>>, %arg2: memref<128x128xf32, #tpu.memory_space<vmem>>) attributes {dimension_semantics = [#tpu.dimension_semantics<arbitrary>], iteration_bounds = array<i64: 80>, scalar_prefetch = 0 : i64, scratch_operands = 0 : i64, tpu.core_type = #tpu.core_type<tc>, window_params = [{transform_indices = @transform_0, window_bounds = array<i64: 32, 128>}, {transform_indices = @transform_1, window_bounds = array<i64: 128, 128>}]} {
    %get3A = arith.constant 0 : index
    %get3A_0 = arith.constant 0 : index
    %get3A_1 = vector.load %arg1[%get3A, %get3A_0] : memref<32x128xf32, #tpu.memory_space<vmem>>, vector<32x128xf32>
    %reduce_sum3A = arith.constant dense<0.000000e+00> : vector<128xf32>
    %reduce_sum3A_2 = vector.multi_reduction <add>, %get3A_1, %reduce_sum3A [0] : vector<32x128xf32> to vector<128xf32>
    %broadcast_in_dim3A = vector.shape_cast %reduce_sum3A_2 : vector<128xf32> to vector<1x128xf32>
    %add3A = arith.constant 1.000000e+00 : f32
    %add3A_3 = vector.broadcast %add3A : f32 to vector<1x128xf32>
    %add3A_4 = arith.addf %add3A_3, %broadcast_in_dim3A : vector<1x128xf32>
    %rsqrt3A = math.rsqrt %add3A_4 : vector<1x128xf32>
    %broadcast_in_dim3A_5 = vector.shape_cast %rsqrt3A : vector<1x128xf32> to vector<1x128xf32>
    %broadcast_in_dim3A_6 = vector.broadcast %broadcast_in_dim3A_5 : vector<1x128xf32> to vector<128x128xf32>
    %iota3A = tpu.iota {dimensions = array<i32: 0>} : vector<128x128xi32>
    %iota3A_7 = tpu.iota {dimensions = array<i32: 1>} : vector<128x128xi32>
    %add3A_8 = arith.constant 0 : i32
    %add3A_9 = vector.broadcast %add3A_8 : i32 to vector<128x128xi32>
    %add3A_10 = arith.addi %iota3A, %add3A_9 : vector<128x128xi32>
    %eq3A = arith.cmpi eq, %add3A_10, %iota3A_7 : vector<128x128xi32>
    %convert_element_type3A = arith.extui %eq3A : vector<128x128xi1> to vector<128x128xi32>
    %convert_element_type3A_11 = arith.sitofp %convert_element_type3A : vector<128x128xi32> to vector<128x128xf32>
    %dot_general3A = arith.constant dense<0.000000e+00> : vector<128x128xf32>
    %dot_general3A_12 = tpu.matmul %broadcast_in_dim3A_6, %convert_element_type3A_11, %dot_general3A {dimension_numbers = #tpu.dot_dimension_numbers<[0], [0], [1], [1], [0, 1, 1, 1], [], []>, transpose_lhs_hint = false} : vector<128x128xf32>, vector<128x128xf32>, vector<128x128xf32> -> vector<128x128xf32>
    %swap3A = arith.constant 0 : index
    %swap3A_13 = arith.constant 0 : index
    %swap3A_14 = vector.load %arg2[%swap3A, %swap3A_13] : memref<128x128xf32, #tpu.memory_space<vmem>>, vector<128x128xf32>
    tpu.vector_store %arg2[%swap3A, %swap3A_13], %dot_general3A_12 {strides = array<i32>} : memref<128x128xf32, #tpu.memory_space<vmem>>, vector<128x128xf32>,
    return
  }
  func.func @transform_0(%arg0: i32) -> (i32, i32) {
    %c0_i32 = arith.constant 0 : i32
    %c0_i32_0 = arith.constant 0 : i32
    return %c0_i32, %arg0 : i32, i32
  }
  func.func @transform_1(%arg0: i32) -> (i32, i32) {
    %c0_i32 = arith.constant 0 : i32
    %c0_i32_0 = arith.constant 0 : i32
    return %arg0, %c0_i32 : i32, i32
  }
}

module attributes {stable_mosaic.version = 14 : i64} {
  func.func @body(%arg0: i32, %arg1: memref<512x128xf32, #tpu.memory_space<vmem>>, %arg2: memref<128x128xf32, #tpu.memory_space<vmem>>, %arg3: memref<512x128xf32, #tpu.memory_space<vmem>>, %arg4: memref<512x128xf32, #tpu.memory_space<vmem>>) attributes {dimension_semantics = [#tpu.dimension_semantics<arbitrary>], iteration_bounds = array<i64: 20>, scalar_prefetch = 0 : i64, scratch_operands = 0 : i64, tpu.core_type = #tpu.core_type<tc>, window_params = [{transform_indices = @transform_0, window_bounds = array<i64: 512, 128>}, {pipeline_mode = #tpu.pipeline_mode<synchronous>, transform_indices = @transform_1, window_bounds = array<i64: 128, 128>}, {transform_indices = @transform_2, window_bounds = array<i64: 512, 128>}, {transform_indices = @transform_3, window_bounds = array<i64: 512, 128>}]} {
    %get3A = arith.constant 0 : index
    %get3A_0 = arith.constant 0 : index
    %get3A_1 = vector.load %arg1[%get3A, %get3A_0] : memref<512x128xf32, #tpu.memory_space<vmem>>, vector<512x128xf32>
    %get3A_2 = arith.constant 0 : index
    %get3A_3 = arith.constant 0 : index
    %get3A_4 = vector.load %arg2[%get3A_2, %get3A_3] : memref<128x128xf32, #tpu.memory_space<vmem>>, vector<128x128xf32>
    %dot_general3A = arith.constant dense<0.000000e+00> : vector<512x128xf32>
    %dot_general3A_5 = tpu.matmul %get3A_1, %get3A_4, %dot_general3A {dimension_numbers = #tpu.dot_dimension_numbers<[1], [0], [0], [1], [0, 0, 1, 1], [], []>, transpose_lhs_hint = false} : vector<512x128xf32>, vector<128x128xf32>, vector<512x128xf32> -> vector<512x128xf32>
    %get3A_6 = arith.constant 0 : index
    %get3A_7 = arith.constant 0 : index
    %get3A_8 = vector.load %arg3[%get3A_6, %get3A_7] : memref<512x128xf32, #tpu.memory_space<vmem>>, vector<512x128xf32>
    %mul3A = arith.mulf %dot_general3A_5, %get3A_8 : vector<512x128xf32>
    %swap3A = arith.constant 0 : index
    %swap3A_9 = arith.constant 0 : index
    %swap3A_10 = vector.load %arg4[%swap3A, %swap3A_9] : memref<512x128xf32, #tpu.memory_space<vmem>>, vector<512x128xf32>
    tpu.vector_store %arg4[%swap3A, %swap3A_9], %mul3A {strides = array<i32>} : memref<512x128xf32, #tpu.memory_space<vmem>>, vector<512x128xf32>,
    return
  }
  func.func @transform_0(%arg0: i32) -> (i32, i32) {
    %c0_i32 = arith.constant 0 : i32
    %c0_i32_0 = arith.constant 0 : i32
    return %arg0, %c0_i32 : i32, i32
  }
  func.func @transform_1(%arg0: i32) -> (i32, i32) {
    %c0_i32 = arith.constant 0 : i32
    %c0_i32_0 = arith.constant 0 : i32
    %c0_i32_1 = arith.constant 0 : i32
    return %c0_i32, %c0_i32_0 : i32, i32
  }
  func.func @transform_2(%arg0: i32) -> (i32, i32) {
    %c0_i32 = arith.constant 0 : i32
    %c0_i32_0 = arith.constant 0 : i32
    return %arg0, %c0_i32 : i32, i32
  }
  func.func @transform_3(%arg0: i32) -> (i32, i32) {
    %c0_i32 = arith.constant 0 : i32
    %c0_i32_0 = arith.constant 0 : i32
    return %arg0, %c0_i32 : i32, i32
  }
}

module attributes {stable_mosaic.version = 14 : i64} {
  func.func @body(%arg0: i32, %arg1: memref<512x128xf32, #tpu.memory_space<vmem>>, %arg2: memref<512x128xf32, #tpu.memory_space<vmem>>, %arg3: memref<512x128xf32, #tpu.memory_space<vmem>>, %arg4: memref<512x128xf32, #tpu.memory_space<vmem>>, %arg5: memref<1x128xf32, #tpu.memory_space<vmem>>, %arg6: memref<128x128xf32, #tpu.memory_space<vmem>>, %arg7: memref<512x128xf32, #tpu.memory_space<vmem>>) attributes {dimension_semantics = [#tpu.dimension_semantics<arbitrary>], iteration_bounds = array<i64: 20>, scalar_prefetch = 0 : i64, scratch_operands = 0 : i64, tpu.core_type = #tpu.core_type<tc>, window_params = [{transform_indices = @transform_0, window_bounds = array<i64: 512, 128>}, {transform_indices = @transform_1, window_bounds = array<i64: 512, 128>}, {transform_indices = @transform_2, window_bounds = array<i64: 512, 128>}, {transform_indices = @transform_3, window_bounds = array<i64: 512, 128>}, {pipeline_mode = #tpu.pipeline_mode<synchronous>, transform_indices = @transform_4, window_bounds = array<i64: 1, 128>}, {pipeline_mode = #tpu.pipeline_mode<synchronous>, transform_indices = @transform_5, window_bounds = array<i64: 128, 128>}, {transform_indices = @transform_6, window_bounds = array<i64: 512, 128>}]} {
    %get3A = arith.constant 0 : index
    %get3A_0 = arith.constant 0 : index
    %get3A_1 = vector.load %arg4[%get3A, %get3A_0] : memref<512x128xf32, #tpu.memory_space<vmem>>, vector<512x128xf32>
    %get3A_2 = arith.constant 0 : index
    %get3A_3 = arith.constant 0 : index
    %get3A_4 = vector.load %arg1[%get3A_2, %get3A_3] : memref<512x128xf32, #tpu.memory_space<vmem>>, vector<512x128xf32>
    %get3A_5 = arith.constant 0 : index
    %get3A_6 = arith.constant 0 : index
    %get3A_7 = vector.load %arg2[%get3A_5, %get3A_6] : memref<512x128xf32, #tpu.memory_space<vmem>>, vector<512x128xf32>
    %add3A = arith.addf %get3A_4, %get3A_7 : vector<512x128xf32>
    %get3A_8 = arith.constant 0 : index
    %get3A_9 = arith.constant 0 : index
    %get3A_10 = vector.load %arg3[%get3A_8, %get3A_9] : memref<512x128xf32, #tpu.memory_space<vmem>>, vector<512x128xf32>
    %add3A_11 = arith.addf %add3A, %get3A_10 : vector<512x128xf32>
    %mul3A = arith.mulf %get3A_1, %add3A_11 : vector<512x128xf32>
    %get3A_12 = arith.constant 0 : index
    %get3A_13 = arith.constant 0 : index
    %get3A_14 = vector.load %arg5[%get3A_12, %get3A_13] : memref<1x128xf32, #tpu.memory_space<vmem>>, vector<1x128xf32>
    %add3A_15 = vector.broadcast %get3A_14 : vector<1x128xf32> to vector<512x128xf32>
    %add3A_16 = arith.addf %mul3A, %add3A_15 : vector<512x128xf32>
    %ge3A = arith.constant 0.000000e+00 : f32
    %ge3A_17 = vector.broadcast %ge3A : f32 to vector<512x128xf32>
    %ge3A_18 = arith.cmpf oge, %add3A_16, %ge3A_17 : vector<512x128xf32>
    %mul3A_19 = arith.constant 0.00999999977 : f32
    %mul3A_20 = vector.broadcast %mul3A_19 : f32 to vector<512x128xf32>
    %mul3A_21 = arith.mulf %mul3A_20, %add3A_16 : vector<512x128xf32>
    %select_n3A = arith.select %ge3A_18, %add3A_16, %mul3A_21 : vector<512x128xi1>, vector<512x128xf32>
    %get3A_22 = arith.constant 0 : index
    %get3A_23 = arith.constant 0 : index
    %get3A_24 = vector.load %arg6[%get3A_22, %get3A_23] : memref<128x128xf32, #tpu.memory_space<vmem>>, vector<128x128xf32>
    %dot_general3A = arith.constant dense<0.000000e+00> : vector<512x128xf32>
    %dot_general3A_25 = tpu.matmul %select_n3A, %get3A_24, %dot_general3A {dimension_numbers = #tpu.dot_dimension_numbers<[1], [0], [0], [1], [0, 0, 1, 1], [], []>, transpose_lhs_hint = false} : vector<512x128xf32>, vector<128x128xf32>, vector<512x128xf32> -> vector<512x128xf32>
    %get3A_26 = arith.constant 0 : index
    %get3A_27 = arith.constant 0 : index
    %get3A_28 = vector.load %arg4[%get3A_26, %get3A_27] : memref<512x128xf32, #tpu.memory_space<vmem>>, vector<512x128xf32>
    %mul3A_29 = arith.mulf %dot_general3A_25, %get3A_28 : vector<512x128xf32>
    %swap3A = arith.constant 0 : index
    %swap3A_30 = arith.constant 0 : index
    %swap3A_31 = vector.load %arg7[%swap3A, %swap3A_30] : memref<512x128xf32, #tpu.memory_space<vmem>>, vector<512x128xf32>
    tpu.vector_store %arg7[%swap3A, %swap3A_30], %mul3A_29 {strides = array<i32>} : memref<512x128xf32, #tpu.memory_space<vmem>>, vector<512x128xf32>,
    return
  }
  func.func @transform_0(%arg0: i32) -> (i32, i32) {
    %c0_i32 = arith.constant 0 : i32
    %c0_i32_0 = arith.constant 0 : i32
    return %arg0, %c0_i32 : i32, i32
  }
  func.func @transform_1(%arg0: i32) -> (i32, i32) {
    %c0_i32 = arith.constant 0 : i32
    %c0_i32_0 = arith.constant 0 : i32
    return %arg0, %c0_i32 : i32, i32
  }
  func.func @transform_2(%arg0: i32) -> (i32, i32) {
    %c0_i32 = arith.constant 0 : i32
    %c0_i32_0 = arith.constant 0 : i32
    return %arg0, %c0_i32 : i32, i32
  }
  func.func @transform_3(%arg0: i32) -> (i32, i32) {
    %c0_i32 = arith.constant 0 : i32
    %c0_i32_0 = arith.constant 0 : i32
    return %arg0, %c0_i32 : i32, i32
  }
  func.func @transform_4(%arg0: i32) -> (i32, i32) {
    %c0_i32 = arith.constant 0 : i32
    %c0_i32_0 = arith.constant 0 : i32
    %c0_i32_1 = arith.constant 0 : i32
    return %c0_i32, %c0_i32_0 : i32, i32
  }
  func.func @transform_5(%arg0: i32) -> (i32, i32) {
    %c0_i32 = arith.constant 0 : i32
    %c0_i32_0 = arith.constant 0 : i32
    %c0_i32_1 = arith.constant 0 : i32
    return %c0_i32, %c0_i32_0 : i32, i32
  }
  func.func @transform_6(%arg0: i32) -> (i32, i32) {
    %c0_i32 = arith.constant 0 : i32
    %c0_i32_0 = arith.constant 0 : i32
    return %arg0, %c0_i32 : i32, i32
  }
}

module attributes {stable_mosaic.version = 14 : i64} {
  func.func @body(%arg0: i32, %arg1: memref<512x128xf32, #tpu.memory_space<vmem>>, %arg2: memref<512x128xf32, #tpu.memory_space<vmem>>, %arg3: memref<512x128xf32, #tpu.memory_space<vmem>>, %arg4: memref<512x128xf32, #tpu.memory_space<vmem>>, %arg5: memref<1x128xf32, #tpu.memory_space<vmem>>, %arg6: memref<512x128xf32, #tpu.memory_space<vmem>>) attributes {dimension_semantics = [#tpu.dimension_semantics<arbitrary>], iteration_bounds = array<i64: 20>, scalar_prefetch = 0 : i64, scratch_operands = 0 : i64, tpu.core_type = #tpu.core_type<tc>, window_params = [{transform_indices = @transform_0, window_bounds = array<i64: 512, 128>}, {transform_indices = @transform_1, window_bounds = array<i64: 512, 128>}, {transform_indices = @transform_2, window_bounds = array<i64: 512, 128>}, {transform_indices = @transform_3, window_bounds = array<i64: 512, 128>}, {pipeline_mode = #tpu.pipeline_mode<synchronous>, transform_indices = @transform_4, window_bounds = array<i64: 1, 128>}, {transform_indices = @transform_5, window_bounds = array<i64: 512, 128>}]} {
    %get3A = arith.constant 0 : index
    %get3A_0 = arith.constant 0 : index
    %get3A_1 = vector.load %arg4[%get3A, %get3A_0] : memref<512x128xf32, #tpu.memory_space<vmem>>, vector<512x128xf32>
    %get3A_2 = arith.constant 0 : index
    %get3A_3 = arith.constant 0 : index
    %get3A_4 = vector.load %arg1[%get3A_2, %get3A_3] : memref<512x128xf32, #tpu.memory_space<vmem>>, vector<512x128xf32>
    %get3A_5 = arith.constant 0 : index
    %get3A_6 = arith.constant 0 : index
    %get3A_7 = vector.load %arg2[%get3A_5, %get3A_6] : memref<512x128xf32, #tpu.memory_space<vmem>>, vector<512x128xf32>
    %add3A = arith.addf %get3A_4, %get3A_7 : vector<512x128xf32>
    %get3A_8 = arith.constant 0 : index
    %get3A_9 = arith.constant 0 : index
    %get3A_10 = vector.load %arg3[%get3A_8, %get3A_9] : memref<512x128xf32, #tpu.memory_space<vmem>>, vector<512x128xf32>
    %add3A_11 = arith.addf %add3A, %get3A_10 : vector<512x128xf32>
    %mul3A = arith.mulf %get3A_1, %add3A_11 : vector<512x128xf32>
    %get3A_12 = arith.constant 0 : index
    %get3A_13 = arith.constant 0 : index
    %get3A_14 = vector.load %arg5[%get3A_12, %get3A_13] : memref<1x128xf32, #tpu.memory_space<vmem>>, vector<1x128xf32>
    %add3A_15 = vector.broadcast %get3A_14 : vector<1x128xf32> to vector<512x128xf32>
    %add3A_16 = arith.addf %mul3A, %add3A_15 : vector<512x128xf32>
    %ge3A = arith.constant 0.000000e+00 : f32
    %ge3A_17 = vector.broadcast %ge3A : f32 to vector<512x128xf32>
    %ge3A_18 = arith.cmpf oge, %add3A_16, %ge3A_17 : vector<512x128xf32>
    %mul3A_19 = arith.constant 0.00999999977 : f32
    %mul3A_20 = vector.broadcast %mul3A_19 : f32 to vector<512x128xf32>
    %mul3A_21 = arith.mulf %mul3A_20, %add3A_16 : vector<512x128xf32>
    %select_n3A = arith.select %ge3A_18, %add3A_16, %mul3A_21 : vector<512x128xi1>, vector<512x128xf32>
    %swap3A = arith.constant 0 : index
    %swap3A_22 = arith.constant 0 : index
    %swap3A_23 = vector.load %arg6[%swap3A, %swap3A_22] : memref<512x128xf32, #tpu.memory_space<vmem>>, vector<512x128xf32>
    tpu.vector_store %arg6[%swap3A, %swap3A_22], %select_n3A {strides = array<i32>} : memref<512x128xf32, #tpu.memory_space<vmem>>, vector<512x128xf32>,
    return
  }
  func.func @transform_0(%arg0: i32) -> (i32, i32) {
    %c0_i32 = arith.constant 0 : i32
    %c0_i32_0 = arith.constant 0 : i32
    return %arg0, %c0_i32 : i32, i32
  }
  func.func @transform_1(%arg0: i32) -> (i32, i32) {
    %c0_i32 = arith.constant 0 : i32
    %c0_i32_0 = arith.constant 0 : i32
    return %arg0, %c0_i32 : i32, i32
  }
  func.func @transform_2(%arg0: i32) -> (i32, i32) {
    %c0_i32 = arith.constant 0 : i32
    %c0_i32_0 = arith.constant 0 : i32
    return %arg0, %c0_i32 : i32, i32
  }
  func.func @transform_3(%arg0: i32) -> (i32, i32) {
    %c0_i32 = arith.constant 0 : i32
    %c0_i32_0 = arith.constant 0 : i32
    return %arg0, %c0_i32 : i32, i32
  }
  func.func @transform_4(%arg0: i32) -> (i32, i32) {
    %c0_i32 = arith.constant 0 : i32
    %c0_i32_0 = arith.constant 0 : i32
    %c0_i32_1 = arith.constant 0 : i32
    return %c0_i32, %c0_i32_0 : i32, i32
  }
  func.func @transform_5(%arg0: i32) -> (i32, i32) {
    %c0_i32 = arith.constant 0 : i32
    %c0_i32_0 = arith.constant 0 : i32
    return %arg0, %c0_i32 : i32, i32
  }
}

</mosaic_0001>

<sc_bundles>
// kernel: kernel.13.cloned.1.call-start
scs
__scs_entry_jumppad:
0x0: {  	(pc) =	sbr.rel $0x88, $3  }
0x1: {  	(tag) =	ssettag $0x0;
	lr =	simm.s32 $0x1  }
0x2: {  	[smem:$0x3F97] =	sst lr;
	_ =	strace $0xD0000000  }
0x3: {  	_ = 	snop  }
0x4: {  	_ = 	snop  }
0x5: {  	_ = 	snop  }
0x6: {  	_ = 	snop  }
0x7: {  	_ = 	snop  }
__scs_overlays_trampoline_lowered:
0x8: {  	[smem:$0x3FA6] =	sst s0  }
0x9: {  	[smem:$0x3FA7] =	sst s1  }
0xa: {  	[smem:$0x3FA8] =	sst s2  }
0xb: {  	[smem:$0x3FA9] =	sst s3  }
0xc: {  	[smem:$0x3FAA] =	sst s4  }
0xd: {  	[smem:$0x3FAB] =	sst s5  }
0xe: {  	[smem:$0x3FAC] =	sst s6  }
0xf: {  	[smem:$0x3FAD] =	sst s7  }
0x10: {  	[smem:$0x3FAE] =	sst s8  }
0x11: {  	[smem:$0x3FAF] =	sst s9;
	s0 =	simm.s32 @!p0 $0x0  }
0x12: {  	s1 =	sld [smem:$0x3F95];
	s0 =	simm.s32 @p0 $0x1  }
0x13: {  	[smem:$0x3FB0] =	sst s0;
	s0 =	simm.s32 @!p1 $0x0  }
0x14: {  	s2 =	sld [smem:$0x3F94];
	s0 =	simm.s32 @p1 $0x1  }
0x15: {  	[smem:$0x3FB1] =	sst s0;
	s0 =	simm.s32 @!p2 $0x0  }
0x16: {  	s3 =	sld [smem:$0x3FDB];
	s0 =	simm.s32 @p2 $0x1  }
0x17: {  	s4 =	simm.s32 $0x1BF5;
	[smem:$0x3FB3] =	sst s0  }
0x18: {  	s0 =	sld [smem:$0x3F96];
	_ =	swait.ge [sflag:s4], $0x0  }
0x19: {  	s7 =	sld [smem:$0x3F97]  }
0x1a: {  	s8 =	sadd.s32 $0xFFFFE003, lr  }
0x1b: {  	s9 =	sadd.s32 $0xFFFFFEF7, lr;
	s5 =	simm.s32 $0xFFFFFFFF;
	p2 =	slt.u32 s8, $0xFFFFF086  }
0x1c: {  	p1 =	slt.u32 s9, $0xF7A;
	s5 =	simm.s32 @!p2 $0x0  }
0x1d: {  	s5 =	simm.s32 @p1 $0x1;
	p0 =	seq.s32 s7, s2  }
0x1e: {  	s7 =	smul.u32 @!p0 $0xF7A, s2;
	p2 =	seq.s32 @!p0 s5, $0x0  }
0x1f: {  	s9 =	smul.u32 $0xF7A, s1;
	s8 =	simm.s32 @!p0 $0x1BF5;
	p2 =	por !p2, p0  }
0x20: {  	[sflag:s8] =	ssyncset.s32 @!p0 $0xFFFFF086;
	s6 =	sadd.s32 @!p0 s3, s7;
	s7 =	simm.s32 @!p0 $0x108  }
0x21: {  	s3 =	sadd.s32 s3, s9;
	s6 =	sadd.s32 @!p0 $0x88, s6;
	s7 =	simm.s32 @p2 $0x1082  }
0x22: {  	[simem:s7], [sflag:s8] =	dma.local @!p0 [hbm:s6], $0xF7A  }
0x23: {  	s9 =	sor.u32 $0xD0000000, s2;
	s6 =	simm.s32 $0x108;
	_ =	swait.ge @!p0 [sflag:s8], $0x0  }
0x24: {  	s3 =	sadd.s32 $0x88, s3;
	s6 =	simm.s32 @!p1 $0x1082;
	[sflag:s4] =	ssyncset.s32 $0xFFFFF086  }
0x25: {  	[simem:s6], [sflag:s4] =	dma.local [hbm:s3], $0xF7A  }
0x26: {  	[smem:$0x3F97] =	sst s1;
	(tag) =	ssettag s2;
	_ =	strace s9  }
0x27: {  	s1 =	sld [smem:$0x3FA7]  }
0x28: {  	s2 =	sld [smem:$0x3FA8]  }
0x29: {  	s4 =	sld [smem:$0x3FAA]  }
0x2a: {  	p0 =	seq.s32 s5, $0x0;
	s5 =	sld [smem:$0x3FAB]  }
0x2b: {  	s6 =	sld [smem:$0x3FAC]  }
0x2c: {  	s7 =	sld [smem:$0x3FAD]  }
0x2d: {  	s3 =	simm.s32 $0x108;
	s8 =	sld [smem:$0x3FAE]  }
0x2e: {  	s3 =	simm.s32 @!p0 $0x1082;
	s9 =	sld [smem:$0x3FAF]  }
0x2f: {  	lr =	sadd.s32 s0, s3;
	s0 =	sld [smem:$0x3FA6]  }
0x30: {  	s3 =	sld [smem:$0x3FA9]  }
0x31: {  	[smem:$0x3FB2] =	sst s10  }
0x32: {  	s10 =	sld [smem:$0x3FB0];
	_ =	sdelay $0x3  }
0x33: {  	p0 =	seq.s32 s10, $0x1;
	s10 =	sld [smem:$0x3FB2];
	_ =	sdelay $0x3  }
0x34: {  	[smem:$0x3FB2] =	sst s10  }
0x35: {  	s10 =	sld [smem:$0x3FB1];
	_ =	sdelay $0x3  }
0x36: {  	p1 =	seq.s32 s10, $0x1;
	s10 =	sld [smem:$0x3FB2];
	_ =	sdelay $0x3  }
0x37: {  	[smem:$0x3FB2] =	sst s10  }
0x38: {  	s10 =	sld [smem:$0x3FB3]  }
0x39: {  	_ = 	snop;
	(pc) =	sbr.ind lr, $3  }
0x3a: {  	_ = 	snop  }
0x3b: {  	_ = 	snop  }
0x3c: {  	p2 =	seq.s32 s10, $0x1;
	s10 =	sld [smem:$0x3FB2]  }
0x3d: {  	_ =	shalt  }
0x3e: {  	_ =	shalt  }
0x3f: {  	_ =	shalt  }
0x40: {  	_ =	shalt  }
0x41: {  	_ =	shalt  }
0x42: {  	_ =	shalt  }
0x43: {  	_ =	shalt  }
0x44: {  	_ =	shalt  }
0x45: {  	_ =	shalt  }
0x46: {  	_ =	shalt  }
0x47: {  	_ =	shalt  }
0x48: {  	_ =	shalt  }
0x49: {  	_ =	shalt  }
0x4a: {  	_ =	shalt  }
0x4b: {  	_ =	shalt  }
0x4c: {  	_ =	shalt  }
0x4d: {  	_ =	shalt  }
0x4e: {  	_ =	shalt  }
0x4f: {  	_ =	shalt  }
0x50: {  	_ =	shalt  }
0x51: {  	_ =	shalt  }
0x52: {  	_ =	shalt  }
0x53: {  	_ =	shalt  }
0x54: {  	_ =	shalt  }
0x55: {  	_ =	shalt  }
0x56: {  	_ =	shalt  }
0x57: {  	_ =	shalt  }
0x58: {  	_ =	shalt  }
0x59: {  	_ =	shalt  }
0x5a: {  	_ =	shalt  }
0x5b: {  	_ =	shalt  }
0x5c: {  	_ =	shalt  }
0x5d: {  	_ =	shalt  }
0x5e: {  	_ =	shalt  }
0x5f: {  	_ =	shalt  }
0x60: {  	_ =	shalt  }
0x61: {  	_ =	shalt  }
0x62: {  	_ =	shalt  }
0x63: {  	_ =	shalt  }
0x64: {  	_ =	shalt  }
0x65: {  	_ =	shalt  }
0x66: {  	_ =	shalt  }
0x67: {  	_ =	shalt  }
0x68: {  	_ =	shalt  }
0x69: {  	_ =	shalt  }
0x6a: {  	_ =	shalt  }
0x6b: {  	_ =	shalt  }
0x6c: {  	_ =	shalt  }
0x6d: {  	_ =	shalt  }
0x6e: {  	_ =	shalt  }
0x6f: {  	_ =	shalt  }
0x70: {  	_ =	shalt  }
0x71: {  	_ =	shalt  }
0x72: {  	_ =	shalt  }
0x73: {  	_ =	shalt  }
0x74: {  	_ =	shalt  }
0x75: {  	_ =	shalt  }
0x76: {  	_ =	shalt  }
0x77: {  	_ =	shalt  }
0x78: {  	_ =	shalt  }
0x79: {  	_ =	shalt  }
0x7a: {  	_ =	shalt  }
0x7b: {  	_ =	shalt  }
0x7c: {  	_ =	shalt  }
0x7d: {  	_ =	shalt  }
0x7e: {  	_ =	shalt  }
0x7f: {  	_ =	shalt  }
0x80: {  	_ =	shalt  }
0x81: {  	_ =	shalt  }
0x82: {  	_ =	shalt  }
0x83: {  	_ =	shalt  }
0x84: {  	_ =	shalt  }
0x85: {  	_ =	shalt  }
0x86: {  	_ =	shalt  }
0x87: {  	_ =	shalt  }
.Lfunc_end0:
.L_simem_size_0:
called_computation_lowered:
.L_overlay_start_0:
0x88: {  	s2 =	sld [smem:$0x3FD9]  }
0x89: {  	s3 =	sld [smem:$0x3FFE];
	_ =	sdelay $0x1  }
0x8a: {  	s1 =	srdreg.scid  }
0x8b: {  	s0 =	sand.u32 $0x1, s1  }
0x8c: {  	s17 =	sshll.u32 s0, $0xA;
	s2 =	sadd.s32 s3, s2  }
0x8d: {  	s2 =	sadd.s32 s2, s17  }
0x8e: {  	[smem:$0x3FBE] =	sst s2  }
0x8f: {  	_ = 	snop  }
0x90: {  	s2 =	sld [smem:$0x3FD0];
	(tm) =	ssettm $0x1  }
0x91: {  	s18 =	sld [smem:$0x3FFB];
	_ =	sdelay $0x3  }
0x92: {  	_ =	strace s18  }
0x93: {  	s3 =	sld [smem:$0x3FFC];
	_ =	sdelay $0x3  }
0x94: {  	_ =	strace s3  }
0x95: {  	s3 =	sld [smem:$0x3FFD];
	_ =	sdelay $0x3  }
0x96: {  	_ =	strace s3  }
0x97: {  	_ =	strace $0x8FFFFFFF  }
0x98: {  	s19 =	sld [smem:$0x3FDB];
	_ =	sdelay $0x1  }
0x99: {  	s4 =	simm.s32 $_scs_section_size  }
0x9a: {  	s5 =	simm.s32 $_size__tile_overlayer_lowered;
	s6 =	simm.s32 $_tile_overlayer_lowered  }
0x9b: {  	s22 =	simm.s32 $0x1BFF;
	s21 =	sshll.u32 s6, $0x1;
	s3 =	sadd.s32 s4, s19  }
0x9c: {  	s7 =	simm.s32 $0x0;
	s20 =	sshll.u32 s5, $0x1;
	s5 =	sadd.s32 s21, s3  }
0x9d: {  	[timem:s7], [sflag:s22] =	dma.local [hbm:s5], s20  }
0x9e: {  	_ =	swait.ge [sflag:s22], s20  }
0x9f: {  	s4 =	ssub.s32 $0x0, s20;
	[sflag:s22] =	ssyncset.done $0x0  }
0xa0: {  	[sflag:s22] =	ssyncadd.s32 s4;
	_ =	sdelay $0x1  }
0xa1: {  	s23 =	simm.s32 $0x1B8B  }
0xa2: {  	_ =	swait.ge [sflag:s23], $0x1  }
0xa3: {  	[sflag:s23] =	ssyncset.done $0x0  }
0xa4: {  	s25 =	simm.s32 $0x1B8E;
	s24 =	sld [smem:$0x3FFE];
	[sflag:s23] =	ssyncadd.s32 $0xFFFFFFFF  }
0xa5: {  	s26 =	simm.s32 $execute0_lowered;
	[smem:$0x3FD2] =	sst s25  }
0xa6: {  	s5 =	sshll.u32 s26, $0x1;
	_ =	strace $0x80000046;
	[dreg:$0x1] =	wrdreg $0xFFFFFFFF  }
0xa7: {  	s28 =	simm.s32 $_size_execute0_lowered;
	s3 =	sadd.s32 s3, s5;
	[dreg:$0x0] =	wrdreg $0x0  }
0xa8: {  	s5 =	sshll.u32 s28, $0x1;
	[dreg:$0x2] =	wrdreg s3  }
0xa9: {  	[dreg:$0x3] =	wrdreg s5  }
0xaa: {  	[dreg:$0x4] =	wrdreg $0xC0  }
0xab: {  	_ =	task [dreg:s7], $0x5FFFF  }
0xac: {  	[dreg:$0x1] =	wrdreg $0xFFFFFFFF  }
0xad: {  	[dreg:$0x0] =	wrdreg $0x60  }
0xae: {  	[dreg:$0x2] =	wrdreg s2  }
0xaf: {  	[dreg:$0x3] =	wrdreg s24  }
0xb0: {  	[dreg:$0x4] =	wrdreg $0x9  }
0xb1: {  	_ =	task.clear_ibuf [dreg:s7], $0x5FFFF;
	_ =	strace $0x90000046  }
0xb2: {  	s29 =	simm.s32 $0x9;
	_ =	strace $0x80000048  }
0xb3: {  	_ =	swait.ge [sflag:s29], $0x1  }
0xb4: {  	[sflag:s29] =	ssyncadd.s32 $0xFFFFFFFF  }
0xb5: {  	_ =	strace $0x90000048  }
0xb6: {  	_ =	sfence  }
0xb7: {  	s30 =	sld [smem:$0x0];
	_ =	sdelay $0x2  }
0xb8: {  	s31 =	sshll.u32 s1, $0xD;
	s1 =	sshrl.u32 s1, $0x2  }
0xb9: {  	s3 =	sand.u32 $0x4000, s31;
	s1 =	sadd.s32 s1, s30  }
0xba: {  	s0 =	sor.u32 s3, s0;
	s1 =	sshll.u32 s1, $0x11  }
0xbb: {  	s0 =	sor.u32 s1, s0  }
0xbc: {  	s0 =	sadd.s32 $0x8F2B, s0  }
0xbd: {  	[sflag:s0] =	ssyncadd.remote.s32 $0x1  }
0xbe: {  	_ =	sfence.sel $0xFFFF  }
0xbf: {  	[dreg:$0x0] =	wrdreg $0xFFFFFFFF;
	(pc) =	sbr.abs _section_cstart, $3  }
0xc0: {  	[dreg:$0x1] =	wrdreg $0xFFFFFFFF  }
0xc1: {  	_ =	task.clear_ibuf [dreg:s7], $0x2FFFF;
	_ =	strace $0x9FFFFFFF  }
0xc2: {  	(tm) =	ssettm $0x7FFFFFFF  }
0xc3: {  	_ =	shalt  }
tec
execute0_lowered:
.L_overlay_start_1:
0x0: {  	(tag) =	ssettag $0x1  }
0x1: {  	s4 =	rddreg [dreg:$0x0]  }
0x2: {  	s3 =	rddreg [dreg:$0x1]  }
0x3: {  	s2 =	srdreg.scid;
	s0 =	rddreg [dreg:$0x2]  }
0x4: {  	s1 =	stileid.u32;
	s9 =	simm.s32 $0x0;
	s5 =	sand.u32 $0x1, s2  }
0x5: {  	s6 =	sshrl.u32 s1, $0x2;
	s7 =	sshll.u32 s1, $0x8;
	s29 =	smul.u32 $0x13C0, s1  }
0x6: {  	s2 =	simm.s32 $0x0;
	s8 =	sshll.u32 s5, $0x7;
	s6 =	smul.u32 $0x14000, s6  }
0x7: {  	[smem:$0x7FF] =	sst s2;
	s28 =	ssub.s32 $0x2, s5;
	s7 =	sor.u32 s8, s7  }
0x8: {  	s5 =	smul.u32 $0x9E0, s5;
	_ =	strace $0x80000047;
	s7 =	sand.u32 $0x380, s7  }
0x9: {  	s30 =	sshrl.u32 s28, $0x1;
	s31 =	sadd.s32 s29, s4;
	s6 =	sor.u32 s6, s7  }
0xa: {  	s8 =	simm.s32 $0x400;
	s5 =	sadd.s32 s5, s31;
	s6 =	sshrl.u32 s6, $0x3  }
0xb: {  	s7 =	simm.s32 $0x80;
	s3 =	sadd.s32 s6, s3;
	s6 =	ssub.s32 s28, s30  }
0xc: {  	v0 =	vimm.f32 $0.0e+00;
	v1 =	vimm.f32 $1.000000000e+00;
	s3 =	sadd.s32 $0x5800, s3;
	s4 =	smax.u32 s6, $0x1;
	s6 =	simm.s32 $0x1  }
.LBB2_1:
0xd: {  	s10 =	simm.s32 $0x0  }
.LBB2_2:
0xe: {  	p0 =	sne.s32 s10, $0x9FC0  }
.Ltmp0:
0xf: {  	_ = 	snop;
	(pc) =	sbr.rel @p0 .LBB2_2-.Ltmp0, $3  }
0x10: {  	_ =	sdelay $0x1  }
0x11: {  	s11 =	sshra.s32 s10, $0x2  }
0x12: {  	s10 =	sadd.s32 $0x40, s10;
	[tilespmem:s11+$0x80] =	vst v0  }
0x13: {  	s10 =	simm.s32 $0x10  }
.LBB2_4:
0x14: {  	s11 =	sadd.s32 s10, s5  }
0x15: {  	[tilespmem:s2], [sflag:$0x1] =	stream.linear.gather [hbm4b:s11+s2], $0x80, $0x38;
	[tilespmem:$0x2880] =	vst v63  }
0x16: {  	_ =	swait.ge [sflag:s6], $0x80  }
0x17: {  	[sflag:s6] =	ssyncset.done $0x0  }
0x18: {  	[sflag:s6] =	ssyncadd.s32 $0xFFFFFF80  }
0x19: {  	v2 =	vld [tilespmem:$0x0];
	_ =	sdelay $0x7  }
0x1a: {  	[tilespmem:v2+s7+$0x0] =	vst.idx.add.f32.msk $0xffff, v1  }
0x1b: {  	v2 =	vld [tilespmem:$0x10];
	_ =	sdelay $0x7  }
0x1c: {  	[tilespmem:v2+s7+$0x0] =	vst.idx.add.f32.msk $0xffff, v1  }
0x1d: {  	v2 =	vld [tilespmem:$0x20];
	_ =	sdelay $0x7  }
0x1e: {  	[tilespmem:v2+s7+$0x0] =	vst.idx.add.f32.msk $0xffff, v1  }
0x1f: {  	v2 =	vld [tilespmem:$0x30];
	_ =	sdelay $0x7  }
0x20: {  	[tilespmem:v2+s7+$0x0] =	vst.idx.add.f32.msk $0xffff, v1  }
0x21: {  	v2 =	vld [tilespmem:$0x40];
	_ =	sdelay $0x7  }
0x22: {  	[tilespmem:v2+s7+$0x0] =	vst.idx.add.f32.msk $0xffff, v1  }
0x23: {  	v2 =	vld [tilespmem:$0x50];
	_ =	sdelay $0x7  }
0x24: {  	[tilespmem:v2+s7+$0x0] =	vst.idx.add.f32.msk $0xffff, v1  }
0x25: {  	v2 =	vld [tilespmem:$0x60];
	_ =	sdelay $0x7  }
0x26: {  	[tilespmem:v2+s7+$0x0] =	vst.idx.add.f32.msk $0xffff, v1  }
0x27: {  	v2 =	vld [tilespmem:$0x70];
	_ =	sdelay $0x2  }
0x28: {  	p0 =	sne.s32 s10, $0x9D0  }
.Ltmp1:
0x29: {  	_ = 	snop;
	(pc) =	sbr.rel @p0 .LBB2_4-.Ltmp1, $2  }
0x2a: {  	_ =	sdelay $0x2  }
0x2b: {  	s10 =	sadd.s32 $0x20, s10;
	[tilespmem:v2+s7+$0x0] =	vst.idx.add.f32.msk $0xffff, v1  }
0x2c: {  	s9 =	sadd.s32 $0x1, s9  }
0x2d: {  	p0 =	sne.s32 s9, s4  }
.Ltmp2:
0x2e: {  	_ = 	snop;
	(pc) =	sbr.rel @p0 .LBB2_1-.Ltmp2, $4  }
0x2f: {  	[hbm4b:s3+s7] =	stream.strided.scatter [tilespmem:s7], [sflag:$0x1], $0x2800, s8, s7, $0x38;
	[tilespmem:$0x2880] =	vst v63  }
0x30: {  	_ =	swait.ge [sflag:s6], $0x2800  }
0x31: {  	[sflag:s6] =	ssyncset.done $0x0  }
0x32: {  	[sflag:s6] =	ssyncadd.s32 $0xFFFFD800  }
0x33: {  	_ =	sfence.sel $0x180000  }
0x34: {  	[bflag:$0x0] =	sbarrier.arrive $0xFFFF  }
0x35: {  	p0 =	sne.s32 s1, $0x0;
	_ =	strace $0x90000047  }
0x36: {  	s0 =	sadd.s32 @!p0 $0x100000, s0;
	[bflag:$0x2] =	sbarrier.arrive $0xFFFF  }
0x37: {  	[sflag:s0] =	ssyncadd.tile.s32 @!p0 $0x1;
	_ =	shalt  }
.Lfunc_end2:
_tile_overlayer_lowered:
.L_overlay_start_2:
0x38: {  	(tag) =	ssettag $0x2  }
0x39: {  	s0 =	rddreg [dreg:$0x0];
	s2 =	stileid.u32  }
0x3a: {  	s1 =	rddreg [dreg:$0x1];
	p0 =	sne.s32 s2, $0x0  }
0x3b: {  	s3 =	rddreg [dreg:$0x2];
	[bflag:$0x3] =	sbarrier.arrive $0xFFFF;
	s2 =	simm.s32 @!p0 $0x1C01  }
0x3c: {  	[timem:s3], [sflag:s2] =	dma.local @!p0 [hbm:s0], s1  }
0x3d: {  	s0 =	simm.s32 @!p0 $0x1  }
0x3e: {  	_ =	swait.ge @!p0 [sflag:s0], s1  }
0x3f: {  	s1 =	ssub.s32 @!p0 $0x0, s1;
	[sflag:s0] =	ssyncset.done @!p0 $0x0  }
0x40: {  	[sflag:s0] =	ssyncadd.s32 @!p0 s1  }
0x41: {  	[bflag:$0x3] =	sbarrier.arrive $0xFFFF  }
0x42: {  	_ =	shalt  }

// kernel: kernel.16.cloned.1.call-start
scs
__scs_entry_jumppad:
0x0: {  	(pc) =	sbr.rel $0x88, $3  }
0x1: {  	(tag) =	ssettag $0x0;
	lr =	simm.s32 $0x1  }
0x2: {  	[smem:$0x3F97] =	sst lr;
	_ =	strace $0xD0000000  }
0x3: {  	_ = 	snop  }
0x4: {  	_ = 	snop  }
0x5: {  	_ = 	snop  }
0x6: {  	_ = 	snop  }
0x7: {  	_ = 	snop  }
__scs_overlays_trampoline_lowered:
0x8: {  	[smem:$0x3FA6] =	sst s0  }
0x9: {  	[smem:$0x3FA7] =	sst s1  }
0xa: {  	[smem:$0x3FA8] =	sst s2  }
0xb: {  	[smem:$0x3FA9] =	sst s3  }
0xc: {  	[smem:$0x3FAA] =	sst s4  }
0xd: {  	[smem:$0x3FAB] =	sst s5  }
0xe: {  	[smem:$0x3FAC] =	sst s6  }
0xf: {  	[smem:$0x3FAD] =	sst s7  }
0x10: {  	[smem:$0x3FAE] =	sst s8  }
0x11: {  	[smem:$0x3FAF] =	sst s9;
	s0 =	simm.s32 @!p0 $0x0  }
0x12: {  	s1 =	sld [smem:$0x3F95];
	s0 =	simm.s32 @p0 $0x1  }
0x13: {  	[smem:$0x3FB0] =	sst s0;
	s0 =	simm.s32 @!p1 $0x0  }
0x14: {  	s2 =	sld [smem:$0x3F94];
	s0 =	simm.s32 @p1 $0x1  }
0x15: {  	[smem:$0x3FB1] =	sst s0;
	s0 =	simm.s32 @!p2 $0x0  }
0x16: {  	s3 =	sld [smem:$0x3FDB];
	s0 =	simm.s32 @p2 $0x1  }
0x17: {  	s4 =	simm.s32 $0x1BF5;
	[smem:$0x3FB3] =	sst s0  }
0x18: {  	s0 =	sld [smem:$0x3F96];
	_ =	swait.ge [sflag:s4], $0x0  }
0x19: {  	s7 =	sld [smem:$0x3F97]  }
0x1a: {  	s8 =	sadd.s32 $0xFFFFE003, lr  }
0x1b: {  	s9 =	sadd.s32 $0xFFFFFEF7, lr;
	s5 =	simm.s32 $0xFFFFFFFF;
	p2 =	slt.u32 s8, $0xFFFFF086  }
0x1c: {  	p1 =	slt.u32 s9, $0xF7A;
	s5 =	simm.s32 @!p2 $0x0  }
0x1d: {  	s5 =	simm.s32 @p1 $0x1;
	p0 =	seq.s32 s7, s2  }
0x1e: {  	s7 =	smul.u32 @!p0 $0xF7A, s2;
	p2 =	seq.s32 @!p0 s5, $0x0  }
0x1f: {  	s9 =	smul.u32 $0xF7A, s1;
	s8 =	simm.s32 @!p0 $0x1BF5;
	p2 =	por !p2, p0  }
0x20: {  	[sflag:s8] =	ssyncset.s32 @!p0 $0xFFFFF086;
	s6 =	sadd.s32 @!p0 s3, s7;
	s7 =	simm.s32 @!p0 $0x108  }
0x21: {  	s3 =	sadd.s32 s3, s9;
	s6 =	sadd.s32 @!p0 $0x88, s6;
	s7 =	simm.s32 @p2 $0x1082  }
0x22: {  	[simem:s7], [sflag:s8] =	dma.local @!p0 [hbm:s6], $0xF7A  }
0x23: {  	s9 =	sor.u32 $0xD0000000, s2;
	s6 =	simm.s32 $0x108;
	_ =	swait.ge @!p0 [sflag:s8], $0x0  }
0x24: {  	s3 =	sadd.s32 $0x88, s3;
	s6 =	simm.s32 @!p1 $0x1082;
	[sflag:s4] =	ssyncset.s32 $0xFFFFF086  }
0x25: {  	[simem:s6], [sflag:s4] =	dma.local [hbm:s3], $0xF7A  }
0x26: {  	[smem:$0x3F97] =	sst s1;
	(tag) =	ssettag s2;
	_ =	strace s9  }
0x27: {  	s1 =	sld [smem:$0x3FA7]  }
0x28: {  	s2 =	sld [smem:$0x3FA8]  }
0x29: {  	s4 =	sld [smem:$0x3FAA]  }
0x2a: {  	p0 =	seq.s32 s5, $0x0;
	s5 =	sld [smem:$0x3FAB]  }
0x2b: {  	s6 =	sld [smem:$0x3FAC]  }
0x2c: {  	s7 =	sld [smem:$0x3FAD]  }
0x2d: {  	s3 =	simm.s32 $0x108;
	s8 =	sld [smem:$0x3FAE]  }
0x2e: {  	s3 =	simm.s32 @!p0 $0x1082;
	s9 =	sld [smem:$0x3FAF]  }
0x2f: {  	lr =	sadd.s32 s0, s3;
	s0 =	sld [smem:$0x3FA6]  }
0x30: {  	s3 =	sld [smem:$0x3FA9]  }
0x31: {  	[smem:$0x3FB2] =	sst s10  }
0x32: {  	s10 =	sld [smem:$0x3FB0];
	_ =	sdelay $0x3  }
0x33: {  	p0 =	seq.s32 s10, $0x1;
	s10 =	sld [smem:$0x3FB2];
	_ =	sdelay $0x3  }
0x34: {  	[smem:$0x3FB2] =	sst s10  }
0x35: {  	s10 =	sld [smem:$0x3FB1];
	_ =	sdelay $0x3  }
0x36: {  	p1 =	seq.s32 s10, $0x1;
	s10 =	sld [smem:$0x3FB2];
	_ =	sdelay $0x3  }
0x37: {  	[smem:$0x3FB2] =	sst s10  }
0x38: {  	s10 =	sld [smem:$0x3FB3]  }
0x39: {  	_ = 	snop;
	(pc) =	sbr.ind lr, $3  }
0x3a: {  	_ = 	snop  }
0x3b: {  	_ = 	snop  }
0x3c: {  	p2 =	seq.s32 s10, $0x1;
	s10 =	sld [smem:$0x3FB2]  }
0x3d: {  	_ =	shalt  }
0x3e: {  	_ =	shalt  }
0x3f: {  	_ =	shalt  }
0x40: {  	_ =	shalt  }
0x41: {  	_ =	shalt  }
0x42: {  	_ =	shalt  }
0x43: {  	_ =	shalt  }
0x44: {  	_ =	shalt  }
0x45: {  	_ =	shalt  }
0x46: {  	_ =	shalt  }
0x47: {  	_ =	shalt  }
0x48: {  	_ =	shalt  }
0x49: {  	_ =	shalt  }
0x4a: {  	_ =	shalt  }
0x4b: {  	_ =	shalt  }
0x4c: {  	_ =	shalt  }
0x4d: {  	_ =	shalt  }
0x4e: {  	_ =	shalt  }
0x4f: {  	_ =	shalt  }
0x50: {  	_ =	shalt  }
0x51: {  	_ =	shalt  }
0x52: {  	_ =	shalt  }
0x53: {  	_ =	shalt  }
0x54: {  	_ =	shalt  }
0x55: {  	_ =	shalt  }
0x56: {  	_ =	shalt  }
0x57: {  	_ =	shalt  }
0x58: {  	_ =	shalt  }
0x59: {  	_ =	shalt  }
0x5a: {  	_ =	shalt  }
0x5b: {  	_ =	shalt  }
0x5c: {  	_ =	shalt  }
0x5d: {  	_ =	shalt  }
0x5e: {  	_ =	shalt  }
0x5f: {  	_ =	shalt  }
0x60: {  	_ =	shalt  }
0x61: {  	_ =	shalt  }
0x62: {  	_ =	shalt  }
0x63: {  	_ =	shalt  }
0x64: {  	_ =	shalt  }
0x65: {  	_ =	shalt  }
0x66: {  	_ =	shalt  }
0x67: {  	_ =	shalt  }
0x68: {  	_ =	shalt  }
0x69: {  	_ =	shalt  }
0x6a: {  	_ =	shalt  }
0x6b: {  	_ =	shalt  }
0x6c: {  	_ =	shalt  }
0x6d: {  	_ =	shalt  }
0x6e: {  	_ =	shalt  }
0x6f: {  	_ =	shalt  }
0x70: {  	_ =	shalt  }
0x71: {  	_ =	shalt  }
0x72: {  	_ =	shalt  }
0x73: {  	_ =	shalt  }
0x74: {  	_ =	shalt  }
0x75: {  	_ =	shalt  }
0x76: {  	_ =	shalt  }
0x77: {  	_ =	shalt  }
0x78: {  	_ =	shalt  }
0x79: {  	_ =	shalt  }
0x7a: {  	_ =	shalt  }
0x7b: {  	_ =	shalt  }
0x7c: {  	_ =	shalt  }
0x7d: {  	_ =	shalt  }
0x7e: {  	_ =	shalt  }
0x7f: {  	_ =	shalt  }
0x80: {  	_ =	shalt  }
0x81: {  	_ =	shalt  }
0x82: {  	_ =	shalt  }
0x83: {  	_ =	shalt  }
0x84: {  	_ =	shalt  }
0x85: {  	_ =	shalt  }
0x86: {  	_ =	shalt  }
0x87: {  	_ =	shalt  }
.Lfunc_end0:
.L_simem_size_0:
called_computation.1_lowered:
.L_overlay_start_0:
0x88: {  	s2 =	sld [smem:$0x3FD9]  }
0x89: {  	s3 =	sld [smem:$0x3FFE];
	_ =	sdelay $0x1  }
0x8a: {  	s1 =	srdreg.scid  }
0x8b: {  	s0 =	sand.u32 $0x1, s1  }
0x8c: {  	s17 =	sshll.u32 s0, $0xA;
	s2 =	sadd.s32 s3, s2  }
0x8d: {  	s2 =	sadd.s32 s2, s17  }
0x8e: {  	[smem:$0x3FBE] =	sst s2  }
0x8f: {  	_ = 	snop  }
0x90: {  	s2 =	sld [smem:$0x3FD0];
	(tm) =	ssettm $0x1  }
0x91: {  	s18 =	sld [smem:$0x3FFB];
	_ =	sdelay $0x3  }
0x92: {  	_ =	strace s18  }
0x93: {  	s3 =	sld [smem:$0x3FFC];
	_ =	sdelay $0x3  }
0x94: {  	_ =	strace s3  }
0x95: {  	s3 =	sld [smem:$0x3FFD];
	_ =	sdelay $0x3  }
0x96: {  	_ =	strace s3  }
0x97: {  	_ =	strace $0x8FFFFFFF  }
0x98: {  	s19 =	sld [smem:$0x3FDB];
	_ =	sdelay $0x1  }
0x99: {  	s4 =	simm.s32 $_scs_section_size  }
0x9a: {  	s5 =	simm.s32 $_size__tile_overlayer_lowered;
	s6 =	simm.s32 $_tile_overlayer_lowered  }
0x9b: {  	s22 =	simm.s32 $0x1BFF;
	s21 =	sshll.u32 s6, $0x1;
	s3 =	sadd.s32 s4, s19  }
0x9c: {  	s7 =	simm.s32 $0x0;
	s20 =	sshll.u32 s5, $0x1;
	s5 =	sadd.s32 s21, s3  }
0x9d: {  	[timem:s7], [sflag:s22] =	dma.local [hbm:s5], s20  }
0x9e: {  	_ =	swait.ge [sflag:s22], s20  }
0x9f: {  	s4 =	ssub.s32 $0x0, s20;
	[sflag:s22] =	ssyncset.done $0x0  }
0xa0: {  	[sflag:s22] =	ssyncadd.s32 s4;
	_ =	sdelay $0x1  }
0xa1: {  	s23 =	simm.s32 $0x1B8B  }
0xa2: {  	_ =	swait.ge [sflag:s23], $0x1  }
0xa3: {  	[sflag:s23] =	ssyncset.done $0x0  }
0xa4: {  	s25 =	simm.s32 $0x1B8E;
	s24 =	sld [smem:$0x3FFE];
	[sflag:s23] =	ssyncadd.s32 $0xFFFFFFFF  }
0xa5: {  	s26 =	simm.s32 $execute0_lowered;
	[smem:$0x3FD2] =	sst s25  }
0xa6: {  	s5 =	sshll.u32 s26, $0x1;
	_ =	strace $0x80000049;
	[dreg:$0x1] =	wrdreg $0xFFFFFFFF  }
0xa7: {  	s28 =	simm.s32 $_size_execute0_lowered;
	s3 =	sadd.s32 s3, s5;
	[dreg:$0x0] =	wrdreg $0x0  }
0xa8: {  	s5 =	sshll.u32 s28, $0x1;
	[dreg:$0x2] =	wrdreg s3  }
0xa9: {  	[dreg:$0x3] =	wrdreg s5  }
0xaa: {  	[dreg:$0x4] =	wrdreg $0xC0  }
0xab: {  	_ =	task [dreg:s7], $0x5FFFF  }
0xac: {  	[dreg:$0x1] =	wrdreg $0xFFFFFFFF  }
0xad: {  	[dreg:$0x0] =	wrdreg $0x60  }
0xae: {  	[dreg:$0x2] =	wrdreg s24  }
0xaf: {  	[dreg:$0x3] =	wrdreg s2  }
0xb0: {  	[dreg:$0x4] =	wrdreg $0x41000  }
0xb1: {  	[dreg:$0x5] =	wrdreg $0x9  }
0xb2: {  	_ =	task.clear_ibuf [dreg:s7], $0x6FFFF;
	_ =	strace $0x90000049  }
0xb3: {  	s29 =	simm.s32 $0x9;
	_ =	strace $0x8000004B  }
0xb4: {  	_ =	swait.ge [sflag:s29], $0x1  }
0xb5: {  	[sflag:s29] =	ssyncadd.s32 $0xFFFFFFFF  }
0xb6: {  	_ =	strace $0x9000004B  }
0xb7: {  	_ =	sfence  }
0xb8: {  	s30 =	sld [smem:$0x0];
	_ =	sdelay $0x2  }
0xb9: {  	s31 =	sshll.u32 s1, $0xD;
	s1 =	sshrl.u32 s1, $0x2  }
0xba: {  	s3 =	sand.u32 $0x4000, s31;
	s1 =	sadd.s32 s1, s30  }
0xbb: {  	s0 =	sor.u32 s3, s0;
	s1 =	sshll.u32 s1, $0x11  }
0xbc: {  	s0 =	sor.u32 s1, s0  }
0xbd: {  	s0 =	sadd.s32 $0x8F2B, s0  }
0xbe: {  	[sflag:s0] =	ssyncadd.remote.s32 $0x1  }
0xbf: {  	_ =	sfence.sel $0xFFFF  }
0xc0: {  	[dreg:$0x0] =	wrdreg $0xFFFFFFFF;
	(pc) =	sbr.abs _section_cstart, $3  }
0xc1: {  	[dreg:$0x1] =	wrdreg $0xFFFFFFFF  }
0xc2: {  	_ =	task.clear_ibuf [dreg:s7], $0x2FFFF;
	_ =	strace $0x9FFFFFFF  }
0xc3: {  	(tm) =	ssettm $0x7FFFFFFF  }
tec
execute0_lowered:
.L_overlay_start_1:
0x0: {  	(tag) =	ssettag $0x1  }
0x1: {  	s10 =	rddreg [dreg:$0x0]  }
0x2: {  	s12 =	rddreg [dreg:$0x1]  }
0x3: {  	s2 =	rddreg [dreg:$0x2]  }
0x4: {  	s0 =	rddreg [dreg:$0x3]  }
0x5: {  	s4 =	srdreg.scid;
	s3 =	simm.s32 $0x0;
	s1 =	stileid.u32  }
0x6: {  	s14 =	simm.s32 $0x7D800;
	s19 =	simm.s32 $0x0;
	s6 =	smul.u32 $0x50000, s1  }
0x7: {  	s11 =	sand.u32 $0x1, s4;
	[smem:$0x7FF] =	sst s3;
	s13 =	smul.u32 $0x2800, s1  }
0x8: {  	s4 =	sadd.s32 $0x2D800, s10;
	s15 =	smul.u32 $0x13C0, s1;
	s17 =	sshll.u32 s1, $0x6  }
0x9: {  	s5 =	ssub.s32 $0x2, s11;
	_ =	strace $0x8000004A;
	p0 =	seq.s32 s11, $0x1  }
0xa: {  	s16 =	smul.u32 $0x9E0, s11;
	s17 =	sor.u32 $0x1C02, s17;
	s7 =	sshrl.u32 s5, $0x1  }
0xb: {  	s31 =	sshrl.u32 s6, $0x2;
	s14 =	simm.s32 @!p0 $0x55800;
	s12 =	sadd.s32 s15, s12  }
0xc: {  	s15 =	simm.s32 $0x80;
	s7 =	ssub.s32 s5, s7;
	s5 =	sadd.s32 s31, s2  }
0xd: {  	s14 =	sadd.s32 s14, s10;
	s12 =	sadd.s32 s16, s12;
	s16 =	simm.s32 $0x1  }
0xe: {  	s6 =	smax.u32 s7, $0x1;
	s7 =	sadd.s32 $0x4000, s5;
	s8 =	sadd.s32 $0x8000, s5  }
0xf: {  	s9 =	sadd.s32 $0xC000, s5;
	s10 =	sadd.s32 $0x10000, s5;
	s11 =	sadd.s32 s14, s13  }
0x10: {  	v0 =	vimm.f32 $0.0e+00;
	s13 =	simm.s32 $0x100;
	s14 =	simm.s32 $0x2;
	s18 =	sshrl.u32 s5, $0x3  }
.LBB2_1:
0x11: {  	s20 =	simm.s32 $0x0;
	s21 =	simm.s32 $0x200  }
.LBB2_2:
0x12: {  	p0 =	sne.s32 s21, $0xFE00;
	[tilespmem:s20+$0x170] =	vst v0  }
0x13: {  	[tilespmem:s20+$0x100] =	vst v0  }
0x14: {  	[tilespmem:s20+$0x110] =	vst v0  }
.Ltmp0:
0x15: {  	[tilespmem:s20+$0x120] =	vst v0;
	(pc) =	sbr.rel @p0 .LBB2_2-.Ltmp0, $4  }
0x16: {  	[tilespmem:s20+$0x130] =	vst v0  }
0x17: {  	[tilespmem:s20+$0x140] =	vst v0  }
0x18: {  	[tilespmem:s20+$0x150] =	vst v0  }
0x19: {  	[tilespmem:s20+$0x160] =	vst v0;
	s20 =	sshra.s32 s21, $0x2;
	s21 =	sadd.s32 $0x200, s21  }
0x1a: {  	[tilespmem:s20+$0x170] =	vst v0  }
0x1b: {  	[tilespmem:s20+$0x100] =	vst v0  }
0x1c: {  	[tilespmem:s20+$0x110] =	vst v0  }
0x1d: {  	[tilespmem:s20+$0x120] =	vst v0  }
0x1e: {  	[tilespmem:s20+$0x130] =	vst v0  }
0x1f: {  	[tilespmem:s20+$0x140] =	vst v0  }
0x20: {  	[tilespmem:s20+$0x150] =	vst v0  }
0x21: {  	[tilespmem:s20+$0x160] =	vst v0  }
0x22: {  	[spmem:s5] =	stream.linear.scatter [tilespmem:s13], [sflag:$0x2], $0x4000, $0x38;
	[tilespmem:$0x18100] =	vst v63  }
0x23: {  	_ =	swait.ge [sflag:s14], $0x4000  }
0x24: {  	[sflag:s14] =	ssyncset.done $0x0  }
0x25: {  	[sflag:s14] =	ssyncadd.s32 $0xFFFFC000  }
0x26: {  	[spmem:s7] =	stream.linear.scatter [tilespmem:s13], [sflag:$0x2], $0x4000, $0x38;
	[tilespmem:$0x18100] =	vst v63  }
0x27: {  	_ =	swait.ge [sflag:s14], $0x4000  }
0x28: {  	[sflag:s14] =	ssyncset.done $0x0  }
0x29: {  	[sflag:s14] =	ssyncadd.s32 $0xFFFFC000  }
0x2a: {  	[spmem:s8] =	stream.linear.scatter [tilespmem:s13], [sflag:$0x2], $0x4000, $0x38;
	[tilespmem:$0x18100] =	vst v63  }
0x2b: {  	_ =	swait.ge [sflag:s14], $0x4000  }
0x2c: {  	[sflag:s14] =	ssyncset.done $0x0  }
0x2d: {  	[sflag:s14] =	ssyncadd.s32 $0xFFFFC000  }
0x2e: {  	[spmem:s9] =	stream.linear.scatter [tilespmem:s13], [sflag:$0x2], $0x4000, $0x38;
	[tilespmem:$0x18100] =	vst v63  }
0x2f: {  	_ =	swait.ge [sflag:s14], $0x4000  }
0x30: {  	[sflag:s14] =	ssyncset.done $0x0  }
0x31: {  	[sflag:s14] =	ssyncadd.s32 $0xFFFFC000  }
0x32: {  	[spmem:s10] =	stream.linear.scatter [tilespmem:s13], [sflag:$0x2], $0x4000, $0x38;
	[tilespmem:$0x18100] =	vst v63  }
0x33: {  	_ =	swait.ge [sflag:s14], $0x4000  }
0x34: {  	[sflag:s14] =	ssyncset.done $0x0  }
0x35: {  	[sflag:s14] =	ssyncadd.s32 $0xFFFFC000  }
0x36: {  	s31 =	sadd.s32 $0x0, s12;
	[bflag:$0x0] =	sbarrier.arrive $0xFFFF  }
0x37: {  	[tilespmem:s3], [sflag:$0x2] =	stream.linear.gather [hbm4b:s31+s3], $0x100, $0x38;
	[tilespmem:$0x18100] =	vst v63  }
0x38: {  	_ =	swait.ge [sflag:s14], $0x100  }
0x39: {  	[sflag:s14] =	ssyncset.done $0x0  }
0x3a: {  	[sflag:s14] =	ssyncadd.s32 $0xFFFFFF00  }
0x3b: {  	[tilespmem:s13], [sflag:$0x1] =	stream.indirect.gather [hbm4b:s4+s15], $0x80, s3, s15, $0xb8;
	[tilespmem:$0x18100] =	vst v63  }
0x3c: {  	_ =	swait.ge [sflag:s16], $0x4000  }
0x3d: {  	[sflag:s16] =	ssyncset.done $0x0  }
0x3e: {  	[sflag:s16] =	ssyncadd.s32 $0xFFFFC000  }
0x3f: {  	[spmem:s2] =	stream.indirect.scatter.add.f32 [tilespmem:s13], [sflag:$0x1], $0x80, s15, s15, $0xb8;
	[tilespmem:$0x18100] =	vst v63  }
0x40: {  	_ =	swait.ge [sflag:s16], $0x4000  }
0x41: {  	s20 =	simm.s32 $0x20;
	s21 =	simm.s32 $0x40;
	[sflag:s16] =	ssyncset.done $0x0  }
.LBB2_4:
0x42: {  	s22 =	sadd.s32 s20, s12  }
0x43: {  	[sflag:s16] =	ssyncadd.s32 $0xFFFFC000;
	s20 =	smov.u32 s21;
	s23 =	sadd.s32 $0x20, s21  }
0x44: {  	[tilespmem:s3], [sflag:$0x2] =	stream.linear.gather [hbm4b:s22+s3], $0x100, $0x38;
	[tilespmem:$0x18100] =	vst v63  }
0x45: {  	p0 =	sne.s32 s21, $0x9C0;
	_ =	swait.ge [sflag:s14], $0x100  }
0x46: {  	[sflag:s14] =	ssyncset.done $0x0  }
0x47: {  	[sflag:s14] =	ssyncadd.s32 $0xFFFFFF00  }
0x48: {  	[tilespmem:s13], [sflag:$0x1] =	stream.indirect.gather [hbm4b:s4+s15], $0x80, s3, s15, $0xb8;
	[tilespmem:$0x18100] =	vst v63  }
0x49: {  	_ =	swait.ge [sflag:s16], $0x4000  }
.Ltmp1:
0x4a: {  	[sflag:s16] =	ssyncset.done $0x0;
	(pc) =	sbr.rel @p0 .LBB2_4-.Ltmp1, $4  }
0x4b: {  	[sflag:s16] =	ssyncadd.s32 $0xFFFFC000  }
0x4c: {  	[spmem:s2] =	stream.indirect.scatter.add.f32 [tilespmem:s13], [sflag:$0x1], $0x80, s15, s15, $0xb8;
	[tilespmem:$0x18100] =	vst v63  }
0x4d: {  	_ =	swait.ge [sflag:s16], $0x4000  }
0x4e: {  	s21 =	smov.u32 s23;
	[sflag:s16] =	ssyncset.done $0x0  }
0x4f: {  	s20 =	sadd.s32 s20, s12;
	[sflag:s16] =	ssyncadd.s32 $0xFFFFC000  }
0x50: {  	[tilespmem:s3], [sflag:$0x2] =	stream.linear.gather [hbm4b:s20+s3], $0x100, $0x38;
	[tilespmem:$0x18100] =	vst v63  }
0x51: {  	_ =	swait.ge [sflag:s14], $0x100  }
0x52: {  	[sflag:s14] =	ssyncset.done $0x0  }
0x53: {  	[sflag:s14] =	ssyncadd.s32 $0xFFFFFF00  }
0x54: {  	[tilespmem:s13], [sflag:$0x1] =	stream.indirect.gather [hbm4b:s4+s15], $0x80, s3, s15, $0xb8;
	[tilespmem:$0x18100] =	vst v63  }
0x55: {  	_ =	swait.ge [sflag:s16], $0x4000  }
0x56: {  	[sflag:s16] =	ssyncset.done $0x0  }
0x57: {  	[sflag:s16] =	ssyncadd.s32 $0xFFFFC000  }
0x58: {  	[spmem:s2] =	stream.indirect.scatter.add.f32 [tilespmem:s13], [sflag:$0x1], $0x80, s15, s15, $0xb8;
	[tilespmem:$0x18100] =	vst v63  }
0x59: {  	_ =	swait.ge [sflag:s16], $0x4000  }
0x5a: {  	s19 =	sadd.s32 $0x1, s19;
	[sflag:s16] =	ssyncset.done $0x0  }
0x5b: {  	p0 =	sne.s32 s19, s6;
	[sflag:s16] =	ssyncadd.s32 $0xFFFFC000  }
.Ltmp2:
0x5c: {  	[bflag:$0x0] =	sbarrier.arrive $0xFFFF;
	(pc) =	sbr.rel @p0 .LBB2_1-.Ltmp2, $4  }
0x5d: {  	[hbm:s11], [sflag:s17] =	dma.local [spmem:s18], $0x2800  }
0x5e: {  	_ =	swait.ge [sflag:s14], $0x2800  }
0x5f: {  	[sflag:s14] =	ssyncset.done $0x0  }
0x60: {  	[sflag:s14] =	ssyncadd.s32 $0xFFFFD800  }
0x61: {  	_ =	sfence.sel $0x180000  }
0x62: {  	[bflag:$0x0] =	sbarrier.arrive $0xFFFF  }
0x63: {  	p0 =	sne.s32 s1, $0x0;
	_ =	strace $0x9000004A  }
0x64: {  	s0 =	sadd.s32 @!p0 $0x100000, s0;
	[bflag:$0x2] =	sbarrier.arrive $0xFFFF  }
0x65: {  	[sflag:s0] =	ssyncadd.tile.s32 @!p0 $0x1;
	_ =	shalt  }
.Lfunc_end2:
_tile_overlayer_lowered:
.L_overlay_start_2:
0x66: {  	(tag) =	ssettag $0x2  }
0x67: {  	s0 =	rddreg [dreg:$0x0];
	s2 =	stileid.u32  }
0x68: {  	s1 =	rddreg [dreg:$0x1];
	p0 =	sne.s32 s2, $0x0  }
0x69: {  	s3 =	rddreg [dreg:$0x2];
	[bflag:$0x3] =	sbarrier.arrive $0xFFFF;
	s2 =	simm.s32 @!p0 $0x1C02  }
0x6a: {  	[timem:s3], [sflag:s2] =	dma.local @!p0 [hbm:s0], s1  }
0x6b: {  	s0 =	simm.s32 @!p0 $0x2  }
0x6c: {  	_ =	swait.ge @!p0 [sflag:s0], s1  }
0x6d: {  	s1 =	ssub.s32 @!p0 $0x0, s1;
	[sflag:s0] =	ssyncset.done @!p0 $0x0  }
0x6e: {  	[sflag:s0] =	ssyncadd.s32 @!p0 s1  }
0x6f: {  	[bflag:$0x3] =	sbarrier.arrive $0xFFFF  }
0x70: {  	_ =	shalt  }

// kernel: kernel.19.cloned.1.call-start
scs
__scs_entry_jumppad:
0x0: {  	(pc) =	sbr.rel $0x88, $3  }
0x1: {  	(tag) =	ssettag $0x0;
	lr =	simm.s32 $0x1  }
0x2: {  	[smem:$0x3F97] =	sst lr;
	_ =	strace $0xD0000000  }
0x3: {  	_ = 	snop  }
0x4: {  	_ = 	snop  }
0x5: {  	_ = 	snop  }
0x6: {  	_ = 	snop  }
0x7: {  	_ = 	snop  }
__scs_overlays_trampoline_lowered:
0x8: {  	[smem:$0x3FA6] =	sst s0  }
0x9: {  	[smem:$0x3FA7] =	sst s1  }
0xa: {  	[smem:$0x3FA8] =	sst s2  }
0xb: {  	[smem:$0x3FA9] =	sst s3  }
0xc: {  	[smem:$0x3FAA] =	sst s4  }
0xd: {  	[smem:$0x3FAB] =	sst s5  }
0xe: {  	[smem:$0x3FAC] =	sst s6  }
0xf: {  	[smem:$0x3FAD] =	sst s7  }
0x10: {  	[smem:$0x3FAE] =	sst s8  }
0x11: {  	[smem:$0x3FAF] =	sst s9;
	s0 =	simm.s32 @!p0 $0x0  }
0x12: {  	s1 =	sld [smem:$0x3F95];
	s0 =	simm.s32 @p0 $0x1  }
0x13: {  	[smem:$0x3FB0] =	sst s0;
	s0 =	simm.s32 @!p1 $0x0  }
0x14: {  	s2 =	sld [smem:$0x3F94];
	s0 =	simm.s32 @p1 $0x1  }
0x15: {  	[smem:$0x3FB1] =	sst s0;
	s0 =	simm.s32 @!p2 $0x0  }
0x16: {  	s3 =	sld [smem:$0x3FDB];
	s0 =	simm.s32 @p2 $0x1  }
0x17: {  	s4 =	simm.s32 $0x1BF5;
	[smem:$0x3FB3] =	sst s0  }
0x18: {  	s0 =	sld [smem:$0x3F96];
	_ =	swait.ge [sflag:s4], $0x0  }
0x19: {  	s7 =	sld [smem:$0x3F97]  }
0x1a: {  	s8 =	sadd.s32 $0xFFFFE003, lr  }
0x1b: {  	s9 =	sadd.s32 $0xFFFFFEF7, lr;
	s5 =	simm.s32 $0xFFFFFFFF;
	p2 =	slt.u32 s8, $0xFFFFF086  }
0x1c: {  	p1 =	slt.u32 s9, $0xF7A;
	s5 =	simm.s32 @!p2 $0x0  }
0x1d: {  	s5 =	simm.s32 @p1 $0x1;
	p0 =	seq.s32 s7, s2  }
0x1e: {  	s7 =	smul.u32 @!p0 $0xF7A, s2;
	p2 =	seq.s32 @!p0 s5, $0x0  }
0x1f: {  	s9 =	smul.u32 $0xF7A, s1;
	s8 =	simm.s32 @!p0 $0x1BF5;
	p2 =	por !p2, p0  }
0x20: {  	[sflag:s8] =	ssyncset.s32 @!p0 $0xFFFFF086;
	s6 =	sadd.s32 @!p0 s3, s7;
	s7 =	simm.s32 @!p0 $0x108  }
0x21: {  	s3 =	sadd.s32 s3, s9;
	s6 =	sadd.s32 @!p0 $0x88, s6;
	s7 =	simm.s32 @p2 $0x1082  }
0x22: {  	[simem:s7], [sflag:s8] =	dma.local @!p0 [hbm:s6], $0xF7A  }
0x23: {  	s9 =	sor.u32 $0xD0000000, s2;
	s6 =	simm.s32 $0x108;
	_ =	swait.ge @!p0 [sflag:s8], $0x0  }
0x24: {  	s3 =	sadd.s32 $0x88, s3;
	s6 =	simm.s32 @!p1 $0x1082;
	[sflag:s4] =	ssyncset.s32 $0xFFFFF086  }
0x25: {  	[simem:s6], [sflag:s4] =	dma.local [hbm:s3], $0xF7A  }
0x26: {  	[smem:$0x3F97] =	sst s1;
	(tag) =	ssettag s2;
	_ =	strace s9  }
0x27: {  	s1 =	sld [smem:$0x3FA7]  }
0x28: {  	s2 =	sld [smem:$0x3FA8]  }
0x29: {  	s4 =	sld [smem:$0x3FAA]  }
0x2a: {  	p0 =	seq.s32 s5, $0x0;
	s5 =	sld [smem:$0x3FAB]  }
0x2b: {  	s6 =	sld [smem:$0x3FAC]  }
0x2c: {  	s7 =	sld [smem:$0x3FAD]  }
0x2d: {  	s3 =	simm.s32 $0x108;
	s8 =	sld [smem:$0x3FAE]  }
0x2e: {  	s3 =	simm.s32 @!p0 $0x1082;
	s9 =	sld [smem:$0x3FAF]  }
0x2f: {  	lr =	sadd.s32 s0, s3;
	s0 =	sld [smem:$0x3FA6]  }
0x30: {  	s3 =	sld [smem:$0x3FA9]  }
0x31: {  	[smem:$0x3FB2] =	sst s10  }
0x32: {  	s10 =	sld [smem:$0x3FB0];
	_ =	sdelay $0x3  }
0x33: {  	p0 =	seq.s32 s10, $0x1;
	s10 =	sld [smem:$0x3FB2];
	_ =	sdelay $0x3  }
0x34: {  	[smem:$0x3FB2] =	sst s10  }
0x35: {  	s10 =	sld [smem:$0x3FB1];
	_ =	sdelay $0x3  }
0x36: {  	p1 =	seq.s32 s10, $0x1;
	s10 =	sld [smem:$0x3FB2];
	_ =	sdelay $0x3  }
0x37: {  	[smem:$0x3FB2] =	sst s10  }
0x38: {  	s10 =	sld [smem:$0x3FB3]  }
0x39: {  	_ = 	snop;
	(pc) =	sbr.ind lr, $3  }
0x3a: {  	_ = 	snop  }
0x3b: {  	_ = 	snop  }
0x3c: {  	p2 =	seq.s32 s10, $0x1;
	s10 =	sld [smem:$0x3FB2]  }
0x3d: {  	_ =	shalt  }
0x3e: {  	_ =	shalt  }
0x3f: {  	_ =	shalt  }
0x40: {  	_ =	shalt  }
0x41: {  	_ =	shalt  }
0x42: {  	_ =	shalt  }
0x43: {  	_ =	shalt  }
0x44: {  	_ =	shalt  }
0x45: {  	_ =	shalt  }
0x46: {  	_ =	shalt  }
0x47: {  	_ =	shalt  }
0x48: {  	_ =	shalt  }
0x49: {  	_ =	shalt  }
0x4a: {  	_ =	shalt  }
0x4b: {  	_ =	shalt  }
0x4c: {  	_ =	shalt  }
0x4d: {  	_ =	shalt  }
0x4e: {  	_ =	shalt  }
0x4f: {  	_ =	shalt  }
0x50: {  	_ =	shalt  }
0x51: {  	_ =	shalt  }
0x52: {  	_ =	shalt  }
0x53: {  	_ =	shalt  }
0x54: {  	_ =	shalt  }
0x55: {  	_ =	shalt  }
0x56: {  	_ =	shalt  }
0x57: {  	_ =	shalt  }
0x58: {  	_ =	shalt  }
0x59: {  	_ =	shalt  }
0x5a: {  	_ =	shalt  }
0x5b: {  	_ =	shalt  }
0x5c: {  	_ =	shalt  }
0x5d: {  	_ =	shalt  }
0x5e: {  	_ =	shalt  }
0x5f: {  	_ =	shalt  }
0x60: {  	_ =	shalt  }
0x61: {  	_ =	shalt  }
0x62: {  	_ =	shalt  }
0x63: {  	_ =	shalt  }
0x64: {  	_ =	shalt  }
0x65: {  	_ =	shalt  }
0x66: {  	_ =	shalt  }
0x67: {  	_ =	shalt  }
0x68: {  	_ =	shalt  }
0x69: {  	_ =	shalt  }
0x6a: {  	_ =	shalt  }
0x6b: {  	_ =	shalt  }
0x6c: {  	_ =	shalt  }
0x6d: {  	_ =	shalt  }
0x6e: {  	_ =	shalt  }
0x6f: {  	_ =	shalt  }
0x70: {  	_ =	shalt  }
0x71: {  	_ =	shalt  }
0x72: {  	_ =	shalt  }
0x73: {  	_ =	shalt  }
0x74: {  	_ =	shalt  }
0x75: {  	_ =	shalt  }
0x76: {  	_ =	shalt  }
0x77: {  	_ =	shalt  }
0x78: {  	_ =	shalt  }
0x79: {  	_ =	shalt  }
0x7a: {  	_ =	shalt  }
0x7b: {  	_ =	shalt  }
0x7c: {  	_ =	shalt  }
0x7d: {  	_ =	shalt  }
0x7e: {  	_ =	shalt  }
0x7f: {  	_ =	shalt  }
0x80: {  	_ =	shalt  }
0x81: {  	_ =	shalt  }
0x82: {  	_ =	shalt  }
0x83: {  	_ =	shalt  }
0x84: {  	_ =	shalt  }
0x85: {  	_ =	shalt  }
0x86: {  	_ =	shalt  }
0x87: {  	_ =	shalt  }
.Lfunc_end0:
.L_simem_size_0:
called_computation.2_lowered:
.L_overlay_start_0:
0x88: {  	s2 =	sld [smem:$0x3FD9]  }
0x89: {  	s3 =	sld [smem:$0x3FFE];
	_ =	sdelay $0x1  }
0x8a: {  	s1 =	srdreg.scid  }
0x8b: {  	s0 =	sand.u32 $0x1, s1  }
0x8c: {  	s17 =	sshll.u32 s0, $0xA;
	s2 =	sadd.s32 s3, s2  }
0x8d: {  	s2 =	sadd.s32 s2, s17  }
0x8e: {  	[smem:$0x3FBE] =	sst s2  }
0x8f: {  	_ = 	snop  }
0x90: {  	s2 =	sld [smem:$0x3FD0];
	(tm) =	ssettm $0x1  }
0x91: {  	s18 =	sld [smem:$0x3FFB];
	_ =	sdelay $0x3  }
0x92: {  	_ =	strace s18  }
0x93: {  	s3 =	sld [smem:$0x3FFC];
	_ =	sdelay $0x3  }
0x94: {  	_ =	strace s3  }
0x95: {  	s3 =	sld [smem:$0x3FFD];
	_ =	sdelay $0x3  }
0x96: {  	_ =	strace s3  }
0x97: {  	_ =	strace $0x8FFFFFFF  }
0x98: {  	s19 =	sld [smem:$0x3FDB];
	_ =	sdelay $0x1  }
0x99: {  	s4 =	simm.s32 $_scs_section_size  }
0x9a: {  	s5 =	simm.s32 $_size__tile_overlayer_lowered;
	s6 =	simm.s32 $_tile_overlayer_lowered  }
0x9b: {  	s22 =	simm.s32 $0x1BFF;
	s21 =	sshll.u32 s6, $0x1;
	s3 =	sadd.s32 s4, s19  }
0x9c: {  	s7 =	simm.s32 $0x0;
	s20 =	sshll.u32 s5, $0x1;
	s5 =	sadd.s32 s21, s3  }
0x9d: {  	[timem:s7], [sflag:s22] =	dma.local [hbm:s5], s20  }
0x9e: {  	_ =	swait.ge [sflag:s22], s20  }
0x9f: {  	s4 =	ssub.s32 $0x0, s20;
	[sflag:s22] =	ssyncset.done $0x0  }
0xa0: {  	[sflag:s22] =	ssyncadd.s32 s4;
	_ =	sdelay $0x1  }
0xa1: {  	s23 =	simm.s32 $0x1B8B  }
0xa2: {  	_ =	swait.ge [sflag:s23], $0x1  }
0xa3: {  	[sflag:s23] =	ssyncset.done $0x0  }
0xa4: {  	s25 =	simm.s32 $0x1B8E;
	s24 =	sld [smem:$0x3FFE];
	[sflag:s23] =	ssyncadd.s32 $0xFFFFFFFF  }
0xa5: {  	s26 =	simm.s32 $execute0_lowered;
	[smem:$0x3FD2] =	sst s25  }
0xa6: {  	s5 =	sshll.u32 s26, $0x1;
	_ =	strace $0x8000004C;
	[dreg:$0x1] =	wrdreg $0xFFFFFFFF  }
0xa7: {  	s28 =	simm.s32 $_size_execute0_lowered;
	s3 =	sadd.s32 s3, s5;
	[dreg:$0x0] =	wrdreg $0x0  }
0xa8: {  	s5 =	sshll.u32 s28, $0x1;
	[dreg:$0x2] =	wrdreg s3  }
0xa9: {  	[dreg:$0x3] =	wrdreg s5  }
0xaa: {  	[dreg:$0x4] =	wrdreg $0xC0  }
0xab: {  	_ =	task [dreg:s7], $0x5FFFF  }
0xac: {  	[dreg:$0x1] =	wrdreg $0xFFFFFFFF  }
0xad: {  	[dreg:$0x0] =	wrdreg $0x60  }
0xae: {  	[dreg:$0x2] =	wrdreg s24  }
0xaf: {  	[dreg:$0x3] =	wrdreg s2  }
0xb0: {  	[dreg:$0x4] =	wrdreg $0x41000  }
0xb1: {  	[dreg:$0x5] =	wrdreg $0x9  }
0xb2: {  	_ =	task.clear_ibuf [dreg:s7], $0x6FFFF;
	_ =	strace $0x9000004C  }
0xb3: {  	s29 =	simm.s32 $0x9;
	_ =	strace $0x8000004E  }
0xb4: {  	_ =	swait.ge [sflag:s29], $0x1  }
0xb5: {  	[sflag:s29] =	ssyncadd.s32 $0xFFFFFFFF  }
0xb6: {  	_ =	strace $0x9000004E  }
0xb7: {  	_ =	sfence  }
0xb8: {  	s30 =	sld [smem:$0x0];
	_ =	sdelay $0x2  }
0xb9: {  	s31 =	sshll.u32 s1, $0xD;
	s1 =	sshrl.u32 s1, $0x2  }
0xba: {  	s3 =	sand.u32 $0x4000, s31;
	s1 =	sadd.s32 s1, s30  }
0xbb: {  	s0 =	sor.u32 s3, s0;
	s1 =	sshll.u32 s1, $0x11  }
0xbc: {  	s0 =	sor.u32 s1, s0  }
0xbd: {  	s0 =	sadd.s32 $0x8F2B, s0  }
0xbe: {  	[sflag:s0] =	ssyncadd.remote.s32 $0x1  }
0xbf: {  	_ =	sfence.sel $0xFFFF  }
0xc0: {  	[dreg:$0x0] =	wrdreg $0xFFFFFFFF;
	(pc) =	sbr.abs _section_cstart, $3  }
0xc1: {  	[dreg:$0x1] =	wrdreg $0xFFFFFFFF  }
0xc2: {  	_ =	task.clear_ibuf [dreg:s7], $0x2FFFF;
	_ =	strace $0x9FFFFFFF  }
0xc3: {  	(tm) =	ssettm $0x7FFFFFFF  }
tec
execute0_lowered:
.L_overlay_start_1:
0x0: {  	(tag) =	ssettag $0x1  }
0x1: {  	s10 =	rddreg [dreg:$0x0]  }
0x2: {  	s12 =	rddreg [dreg:$0x1]  }
0x3: {  	s2 =	rddreg [dreg:$0x2]  }
0x4: {  	s0 =	rddreg [dreg:$0x3]  }
0x5: {  	s4 =	srdreg.scid;
	s3 =	simm.s32 $0x0;
	s1 =	stileid.u32  }
0x6: {  	s14 =	simm.s32 $0x7D800;
	s19 =	simm.s32 $0x0;
	s6 =	smul.u32 $0x50000, s1  }
0x7: {  	s11 =	sand.u32 $0x1, s4;
	[smem:$0x7FF] =	sst s3;
	s13 =	smul.u32 $0x2800, s1  }
0x8: {  	s4 =	sadd.s32 $0x2D800, s10;
	s15 =	smul.u32 $0x13C0, s1;
	s17 =	sshll.u32 s1, $0x6  }
0x9: {  	s5 =	ssub.s32 $0x2, s11;
	_ =	strace $0x8000004D;
	p0 =	seq.s32 s11, $0x1  }
0xa: {  	s16 =	smul.u32 $0x9E0, s11;
	s17 =	sor.u32 $0x1C02, s17;
	s7 =	sshrl.u32 s5, $0x1  }
0xb: {  	s31 =	sshrl.u32 s6, $0x2;
	s14 =	simm.s32 @!p0 $0x55800;
	s12 =	sadd.s32 s15, s12  }
0xc: {  	s15 =	simm.s32 $0x80;
	s7 =	ssub.s32 s5, s7;
	s5 =	sadd.s32 s31, s2  }
0xd: {  	s14 =	sadd.s32 s14, s10;
	s12 =	sadd.s32 s16, s12;
	s16 =	simm.s32 $0x1  }
0xe: {  	s6 =	smax.u32 s7, $0x1;
	s7 =	sadd.s32 $0x4000, s5;
	s8 =	sadd.s32 $0x8000, s5  }
0xf: {  	s9 =	sadd.s32 $0xC000, s5;
	s10 =	sadd.s32 $0x10000, s5;
	s11 =	sadd.s32 s14, s13  }
0x10: {  	v0 =	vimm.f32 $0.0e+00;
	s13 =	simm.s32 $0x100;
	s14 =	simm.s32 $0x2;
	s18 =	sshrl.u32 s5, $0x3  }
.LBB2_1:
0x11: {  	s20 =	simm.s32 $0x0;
	s21 =	simm.s32 $0x200  }
.LBB2_2:
0x12: {  	p0 =	sne.s32 s21, $0xFE00;
	[tilespmem:s20+$0x170] =	vst v0  }
0x13: {  	[tilespmem:s20+$0x100] =	vst v0  }
0x14: {  	[tilespmem:s20+$0x110] =	vst v0  }
.Ltmp0:
0x15: {  	[tilespmem:s20+$0x120] =	vst v0;
	(pc) =	sbr.rel @p0 .LBB2_2-.Ltmp0, $4  }
0x16: {  	[tilespmem:s20+$0x130] =	vst v0  }
0x17: {  	[tilespmem:s20+$0x140] =	vst v0  }
0x18: {  	[tilespmem:s20+$0x150] =	vst v0  }
0x19: {  	[tilespmem:s20+$0x160] =	vst v0;
	s20 =	sshra.s32 s21, $0x2;
	s21 =	sadd.s32 $0x200, s21  }
0x1a: {  	[tilespmem:s20+$0x170] =	vst v0  }
0x1b: {  	[tilespmem:s20+$0x100] =	vst v0  }
0x1c: {  	[tilespmem:s20+$0x110] =	vst v0  }
0x1d: {  	[tilespmem:s20+$0x120] =	vst v0  }
0x1e: {  	[tilespmem:s20+$0x130] =	vst v0  }
0x1f: {  	[tilespmem:s20+$0x140] =	vst v0  }
0x20: {  	[tilespmem:s20+$0x150] =	vst v0  }
0x21: {  	[tilespmem:s20+$0x160] =	vst v0  }
0x22: {  	[spmem:s5] =	stream.linear.scatter [tilespmem:s13], [sflag:$0x2], $0x4000, $0x38;
	[tilespmem:$0x18100] =	vst v63  }
0x23: {  	_ =	swait.ge [sflag:s14], $0x4000  }
0x24: {  	[sflag:s14] =	ssyncset.done $0x0  }
0x25: {  	[sflag:s14] =	ssyncadd.s32 $0xFFFFC000  }
0x26: {  	[spmem:s7] =	stream.linear.scatter [tilespmem:s13], [sflag:$0x2], $0x4000, $0x38;
	[tilespmem:$0x18100] =	vst v63  }
0x27: {  	_ =	swait.ge [sflag:s14], $0x4000  }
0x28: {  	[sflag:s14] =	ssyncset.done $0x0  }
0x29: {  	[sflag:s14] =	ssyncadd.s32 $0xFFFFC000  }
0x2a: {  	[spmem:s8] =	stream.linear.scatter [tilespmem:s13], [sflag:$0x2], $0x4000, $0x38;
	[tilespmem:$0x18100] =	vst v63  }
0x2b: {  	_ =	swait.ge [sflag:s14], $0x4000  }
0x2c: {  	[sflag:s14] =	ssyncset.done $0x0  }
0x2d: {  	[sflag:s14] =	ssyncadd.s32 $0xFFFFC000  }
0x2e: {  	[spmem:s9] =	stream.linear.scatter [tilespmem:s13], [sflag:$0x2], $0x4000, $0x38;
	[tilespmem:$0x18100] =	vst v63  }
0x2f: {  	_ =	swait.ge [sflag:s14], $0x4000  }
0x30: {  	[sflag:s14] =	ssyncset.done $0x0  }
0x31: {  	[sflag:s14] =	ssyncadd.s32 $0xFFFFC000  }
0x32: {  	[spmem:s10] =	stream.linear.scatter [tilespmem:s13], [sflag:$0x2], $0x4000, $0x38;
	[tilespmem:$0x18100] =	vst v63  }
0x33: {  	_ =	swait.ge [sflag:s14], $0x4000  }
0x34: {  	[sflag:s14] =	ssyncset.done $0x0  }
0x35: {  	[sflag:s14] =	ssyncadd.s32 $0xFFFFC000  }
0x36: {  	s31 =	sadd.s32 $0x0, s12;
	[bflag:$0x0] =	sbarrier.arrive $0xFFFF  }
0x37: {  	[tilespmem:s3], [sflag:$0x2] =	stream.linear.gather [hbm4b:s31+s3], $0x100, $0x38;
	[tilespmem:$0x18100] =	vst v63  }
0x38: {  	_ =	swait.ge [sflag:s14], $0x100  }
0x39: {  	[sflag:s14] =	ssyncset.done $0x0  }
0x3a: {  	[sflag:s14] =	ssyncadd.s32 $0xFFFFFF00  }
0x3b: {  	[tilespmem:s13], [sflag:$0x1] =	stream.indirect.gather [hbm4b:s4+s15], $0x80, s3, s15, $0xb8;
	[tilespmem:$0x18100] =	vst v63  }
0x3c: {  	_ =	swait.ge [sflag:s16], $0x4000  }
0x3d: {  	[sflag:s16] =	ssyncset.done $0x0  }
0x3e: {  	[sflag:s16] =	ssyncadd.s32 $0xFFFFC000  }
0x3f: {  	[spmem:s2] =	stream.indirect.scatter.add.f32 [tilespmem:s13], [sflag:$0x1], $0x80, s15, s15, $0xb8;
	[tilespmem:$0x18100] =	vst v63  }
0x40: {  	_ =	swait.ge [sflag:s16], $0x4000  }
0x41: {  	s20 =	simm.s32 $0x20;
	s21 =	simm.s32 $0x40;
	[sflag:s16] =	ssyncset.done $0x0  }
.LBB2_4:
0x42: {  	s22 =	sadd.s32 s20, s12  }
0x43: {  	[sflag:s16] =	ssyncadd.s32 $0xFFFFC000;
	s20 =	smov.u32 s21;
	s23 =	sadd.s32 $0x20, s21  }
0x44: {  	[tilespmem:s3], [sflag:$0x2] =	stream.linear.gather [hbm4b:s22+s3], $0x100, $0x38;
	[tilespmem:$0x18100] =	vst v63  }
0x45: {  	p0 =	sne.s32 s21, $0x9C0;
	_ =	swait.ge [sflag:s14], $0x100  }
0x46: {  	[sflag:s14] =	ssyncset.done $0x0  }
0x47: {  	[sflag:s14] =	ssyncadd.s32 $0xFFFFFF00  }
0x48: {  	[tilespmem:s13], [sflag:$0x1] =	stream.indirect.gather [hbm4b:s4+s15], $0x80, s3, s15, $0xb8;
	[tilespmem:$0x18100] =	vst v63  }
0x49: {  	_ =	swait.ge [sflag:s16], $0x4000  }
.Ltmp1:
0x4a: {  	[sflag:s16] =	ssyncset.done $0x0;
	(pc) =	sbr.rel @p0 .LBB2_4-.Ltmp1, $4  }
0x4b: {  	[sflag:s16] =	ssyncadd.s32 $0xFFFFC000  }
0x4c: {  	[spmem:s2] =	stream.indirect.scatter.add.f32 [tilespmem:s13], [sflag:$0x1], $0x80, s15, s15, $0xb8;
	[tilespmem:$0x18100] =	vst v63  }
0x4d: {  	_ =	swait.ge [sflag:s16], $0x4000  }
0x4e: {  	s21 =	smov.u32 s23;
	[sflag:s16] =	ssyncset.done $0x0  }
0x4f: {  	s20 =	sadd.s32 s20, s12;
	[sflag:s16] =	ssyncadd.s32 $0xFFFFC000  }
0x50: {  	[tilespmem:s3], [sflag:$0x2] =	stream.linear.gather [hbm4b:s20+s3], $0x100, $0x38;
	[tilespmem:$0x18100] =	vst v63  }
0x51: {  	_ =	swait.ge [sflag:s14], $0x100  }
0x52: {  	[sflag:s14] =	ssyncset.done $0x0  }
0x53: {  	[sflag:s14] =	ssyncadd.s32 $0xFFFFFF00  }
0x54: {  	[tilespmem:s13], [sflag:$0x1] =	stream.indirect.gather [hbm4b:s4+s15], $0x80, s3, s15, $0xb8;
	[tilespmem:$0x18100] =	vst v63  }
0x55: {  	_ =	swait.ge [sflag:s16], $0x4000  }
0x56: {  	[sflag:s16] =	ssyncset.done $0x0  }
0x57: {  	[sflag:s16] =	ssyncadd.s32 $0xFFFFC000  }
0x58: {  	[spmem:s2] =	stream.indirect.scatter.add.f32 [tilespmem:s13], [sflag:$0x1], $0x80, s15, s15, $0xb8;
	[tilespmem:$0x18100] =	vst v63  }
0x59: {  	_ =	swait.ge [sflag:s16], $0x4000  }
0x5a: {  	s19 =	sadd.s32 $0x1, s19;
	[sflag:s16] =	ssyncset.done $0x0  }
0x5b: {  	p0 =	sne.s32 s19, s6;
	[sflag:s16] =	ssyncadd.s32 $0xFFFFC000  }
.Ltmp2:
0x5c: {  	[bflag:$0x0] =	sbarrier.arrive $0xFFFF;
	(pc) =	sbr.rel @p0 .LBB2_1-.Ltmp2, $4  }
0x5d: {  	[hbm:s11], [sflag:s17] =	dma.local [spmem:s18], $0x2800  }
0x5e: {  	_ =	swait.ge [sflag:s14], $0x2800  }
0x5f: {  	[sflag:s14] =	ssyncset.done $0x0  }
0x60: {  	[sflag:s14] =	ssyncadd.s32 $0xFFFFD800  }
0x61: {  	_ =	sfence.sel $0x180000  }
0x62: {  	[bflag:$0x0] =	sbarrier.arrive $0xFFFF  }
0x63: {  	p0 =	sne.s32 s1, $0x0;
	_ =	strace $0x9000004D  }
0x64: {  	s0 =	sadd.s32 @!p0 $0x100000, s0;
	[bflag:$0x2] =	sbarrier.arrive $0xFFFF  }
0x65: {  	[sflag:s0] =	ssyncadd.tile.s32 @!p0 $0x1;
	_ =	shalt  }
.Lfunc_end2:
_tile_overlayer_lowered:
.L_overlay_start_2:
0x66: {  	(tag) =	ssettag $0x2  }
0x67: {  	s0 =	rddreg [dreg:$0x0];
	s2 =	stileid.u32  }
0x68: {  	s1 =	rddreg [dreg:$0x1];
	p0 =	sne.s32 s2, $0x0  }
0x69: {  	s3 =	rddreg [dreg:$0x2];
	[bflag:$0x3] =	sbarrier.arrive $0xFFFF;
	s2 =	simm.s32 @!p0 $0x1C02  }
0x6a: {  	[timem:s3], [sflag:s2] =	dma.local @!p0 [hbm:s0], s1  }
0x6b: {  	s0 =	simm.s32 @!p0 $0x2  }
0x6c: {  	_ =	swait.ge @!p0 [sflag:s0], s1  }
0x6d: {  	s1 =	ssub.s32 @!p0 $0x0, s1;
	[sflag:s0] =	ssyncset.done @!p0 $0x0  }
0x6e: {  	[sflag:s0] =	ssyncadd.s32 @!p0 s1  }
0x6f: {  	[bflag:$0x3] =	sbarrier.arrive $0xFFFF  }
0x70: {  	_ =	shalt  }

// kernel: kernel.22.cloned.1.call-start
scs
__scs_entry_jumppad:
0x0: {  	(pc) =	sbr.rel $0x88, $3  }
0x1: {  	(tag) =	ssettag $0x0;
	lr =	simm.s32 $0x1  }
0x2: {  	[smem:$0x3F97] =	sst lr;
	_ =	strace $0xD0000000  }
0x3: {  	_ = 	snop  }
0x4: {  	_ = 	snop  }
0x5: {  	_ = 	snop  }
0x6: {  	_ = 	snop  }
0x7: {  	_ = 	snop  }
__scs_overlays_trampoline_lowered:
0x8: {  	[smem:$0x3FA6] =	sst s0  }
0x9: {  	[smem:$0x3FA7] =	sst s1  }
0xa: {  	[smem:$0x3FA8] =	sst s2  }
0xb: {  	[smem:$0x3FA9] =	sst s3  }
0xc: {  	[smem:$0x3FAA] =	sst s4  }
0xd: {  	[smem:$0x3FAB] =	sst s5  }
0xe: {  	[smem:$0x3FAC] =	sst s6  }
0xf: {  	[smem:$0x3FAD] =	sst s7  }
0x10: {  	[smem:$0x3FAE] =	sst s8  }
0x11: {  	[smem:$0x3FAF] =	sst s9;
	s0 =	simm.s32 @!p0 $0x0  }
0x12: {  	s1 =	sld [smem:$0x3F95];
	s0 =	simm.s32 @p0 $0x1  }
0x13: {  	[smem:$0x3FB0] =	sst s0;
	s0 =	simm.s32 @!p1 $0x0  }
0x14: {  	s2 =	sld [smem:$0x3F94];
	s0 =	simm.s32 @p1 $0x1  }
0x15: {  	[smem:$0x3FB1] =	sst s0;
	s0 =	simm.s32 @!p2 $0x0  }
0x16: {  	s3 =	sld [smem:$0x3FDB];
	s0 =	simm.s32 @p2 $0x1  }
0x17: {  	s4 =	simm.s32 $0x1BF5;
	[smem:$0x3FB3] =	sst s0  }
0x18: {  	s0 =	sld [smem:$0x3F96];
	_ =	swait.ge [sflag:s4], $0x0  }
0x19: {  	s7 =	sld [smem:$0x3F97]  }
0x1a: {  	s8 =	sadd.s32 $0xFFFFE003, lr  }
0x1b: {  	s9 =	sadd.s32 $0xFFFFFEF7, lr;
	s5 =	simm.s32 $0xFFFFFFFF;
	p2 =	slt.u32 s8, $0xFFFFF086  }
0x1c: {  	p1 =	slt.u32 s9, $0xF7A;
	s5 =	simm.s32 @!p2 $0x0  }
0x1d: {  	s5 =	simm.s32 @p1 $0x1;
	p0 =	seq.s32 s7, s2  }
0x1e: {  	s7 =	smul.u32 @!p0 $0xF7A, s2;
	p2 =	seq.s32 @!p0 s5, $0x0  }
0x1f: {  	s9 =	smul.u32 $0xF7A, s1;
	s8 =	simm.s32 @!p0 $0x1BF5;
	p2 =	por !p2, p0  }
0x20: {  	[sflag:s8] =	ssyncset.s32 @!p0 $0xFFFFF086;
	s6 =	sadd.s32 @!p0 s3, s7;
	s7 =	simm.s32 @!p0 $0x108  }
0x21: {  	s3 =	sadd.s32 s3, s9;
	s6 =	sadd.s32 @!p0 $0x88, s6;
	s7 =	simm.s32 @p2 $0x1082  }
0x22: {  	[simem:s7], [sflag:s8] =	dma.local @!p0 [hbm:s6], $0xF7A  }
0x23: {  	s9 =	sor.u32 $0xD0000000, s2;
	s6 =	simm.s32 $0x108;
	_ =	swait.ge @!p0 [sflag:s8], $0x0  }
0x24: {  	s3 =	sadd.s32 $0x88, s3;
	s6 =	simm.s32 @!p1 $0x1082;
	[sflag:s4] =	ssyncset.s32 $0xFFFFF086  }
0x25: {  	[simem:s6], [sflag:s4] =	dma.local [hbm:s3], $0xF7A  }
0x26: {  	[smem:$0x3F97] =	sst s1;
	(tag) =	ssettag s2;
	_ =	strace s9  }
0x27: {  	s1 =	sld [smem:$0x3FA7]  }
0x28: {  	s2 =	sld [smem:$0x3FA8]  }
0x29: {  	s4 =	sld [smem:$0x3FAA]  }
0x2a: {  	p0 =	seq.s32 s5, $0x0;
	s5 =	sld [smem:$0x3FAB]  }
0x2b: {  	s6 =	sld [smem:$0x3FAC]  }
0x2c: {  	s7 =	sld [smem:$0x3FAD]  }
0x2d: {  	s3 =	simm.s32 $0x108;
	s8 =	sld [smem:$0x3FAE]  }
0x2e: {  	s3 =	simm.s32 @!p0 $0x1082;
	s9 =	sld [smem:$0x3FAF]  }
0x2f: {  	lr =	sadd.s32 s0, s3;
	s0 =	sld [smem:$0x3FA6]  }
0x30: {  	s3 =	sld [smem:$0x3FA9]  }
0x31: {  	[smem:$0x3FB2] =	sst s10  }
0x32: {  	s10 =	sld [smem:$0x3FB0];
	_ =	sdelay $0x3  }
0x33: {  	p0 =	seq.s32 s10, $0x1;
	s10 =	sld [smem:$0x3FB2];
	_ =	sdelay $0x3  }
0x34: {  	[smem:$0x3FB2] =	sst s10  }
0x35: {  	s10 =	sld [smem:$0x3FB1];
	_ =	sdelay $0x3  }
0x36: {  	p1 =	seq.s32 s10, $0x1;
	s10 =	sld [smem:$0x3FB2];
	_ =	sdelay $0x3  }
0x37: {  	[smem:$0x3FB2] =	sst s10  }
0x38: {  	s10 =	sld [smem:$0x3FB3]  }
0x39: {  	_ = 	snop;
	(pc) =	sbr.ind lr, $3  }
0x3a: {  	_ = 	snop  }
0x3b: {  	_ = 	snop  }
0x3c: {  	p2 =	seq.s32 s10, $0x1;
	s10 =	sld [smem:$0x3FB2]  }
0x3d: {  	_ =	shalt  }
0x3e: {  	_ =	shalt  }
0x3f: {  	_ =	shalt  }
0x40: {  	_ =	shalt  }
0x41: {  	_ =	shalt  }
0x42: {  	_ =	shalt  }
0x43: {  	_ =	shalt  }
0x44: {  	_ =	shalt  }
0x45: {  	_ =	shalt  }
0x46: {  	_ =	shalt  }
0x47: {  	_ =	shalt  }
0x48: {  	_ =	shalt  }
0x49: {  	_ =	shalt  }
0x4a: {  	_ =	shalt  }
0x4b: {  	_ =	shalt  }
0x4c: {  	_ =	shalt  }
0x4d: {  	_ =	shalt  }
0x4e: {  	_ =	shalt  }
0x4f: {  	_ =	shalt  }
0x50: {  	_ =	shalt  }
0x51: {  	_ =	shalt  }
0x52: {  	_ =	shalt  }
0x53: {  	_ =	shalt  }
0x54: {  	_ =	shalt  }
0x55: {  	_ =	shalt  }
0x56: {  	_ =	shalt  }
0x57: {  	_ =	shalt  }
0x58: {  	_ =	shalt  }
0x59: {  	_ =	shalt  }
0x5a: {  	_ =	shalt  }
0x5b: {  	_ =	shalt  }
0x5c: {  	_ =	shalt  }
0x5d: {  	_ =	shalt  }
0x5e: {  	_ =	shalt  }
0x5f: {  	_ =	shalt  }
0x60: {  	_ =	shalt  }
0x61: {  	_ =	shalt  }
0x62: {  	_ =	shalt  }
0x63: {  	_ =	shalt  }
0x64: {  	_ =	shalt  }
0x65: {  	_ =	shalt  }
0x66: {  	_ =	shalt  }
0x67: {  	_ =	shalt  }
0x68: {  	_ =	shalt  }
0x69: {  	_ =	shalt  }
0x6a: {  	_ =	shalt  }
0x6b: {  	_ =	shalt  }
0x6c: {  	_ =	shalt  }
0x6d: {  	_ =	shalt  }
0x6e: {  	_ =	shalt  }
0x6f: {  	_ =	shalt  }
0x70: {  	_ =	shalt  }
0x71: {  	_ =	shalt  }
0x72: {  	_ =	shalt  }
0x73: {  	_ =	shalt  }
0x74: {  	_ =	shalt  }
0x75: {  	_ =	shalt  }
0x76: {  	_ =	shalt  }
0x77: {  	_ =	shalt  }
0x78: {  	_ =	shalt  }
0x79: {  	_ =	shalt  }
0x7a: {  	_ =	shalt  }
0x7b: {  	_ =	shalt  }
0x7c: {  	_ =	shalt  }
0x7d: {  	_ =	shalt  }
0x7e: {  	_ =	shalt  }
0x7f: {  	_ =	shalt  }
0x80: {  	_ =	shalt  }
0x81: {  	_ =	shalt  }
0x82: {  	_ =	shalt  }
0x83: {  	_ =	shalt  }
0x84: {  	_ =	shalt  }
0x85: {  	_ =	shalt  }
0x86: {  	_ =	shalt  }
0x87: {  	_ =	shalt  }
.Lfunc_end0:
.L_simem_size_0:
called_computation.3_lowered:
.L_overlay_start_0:
0x88: {  	s2 =	sld [smem:$0x3FD9]  }
0x89: {  	s3 =	sld [smem:$0x3FFE];
	_ =	sdelay $0x1  }
0x8a: {  	s1 =	srdreg.scid  }
0x8b: {  	s0 =	sand.u32 $0x1, s1  }
0x8c: {  	s17 =	sshll.u32 s0, $0xA;
	s2 =	sadd.s32 s3, s2  }
0x8d: {  	s2 =	sadd.s32 s2, s17  }
0x8e: {  	[smem:$0x3FBE] =	sst s2  }
0x8f: {  	_ = 	snop  }
0x90: {  	s2 =	sld [smem:$0x3FD0];
	(tm) =	ssettm $0x1  }
0x91: {  	s18 =	sld [smem:$0x3FFB];
	_ =	sdelay $0x3  }
0x92: {  	_ =	strace s18  }
0x93: {  	s3 =	sld [smem:$0x3FFC];
	_ =	sdelay $0x3  }
0x94: {  	_ =	strace s3  }
0x95: {  	s3 =	sld [smem:$0x3FFD];
	_ =	sdelay $0x3  }
0x96: {  	_ =	strace s3  }
0x97: {  	_ =	strace $0x8FFFFFFF  }
0x98: {  	s19 =	sld [smem:$0x3FDB];
	_ =	sdelay $0x1  }
0x99: {  	s4 =	simm.s32 $_scs_section_size  }
0x9a: {  	s5 =	simm.s32 $_size__tile_overlayer_lowered;
	s6 =	simm.s32 $_tile_overlayer_lowered  }
0x9b: {  	s22 =	simm.s32 $0x1BFF;
	s21 =	sshll.u32 s6, $0x1;
	s3 =	sadd.s32 s4, s19  }
0x9c: {  	s7 =	simm.s32 $0x0;
	s20 =	sshll.u32 s5, $0x1;
	s5 =	sadd.s32 s21, s3  }
0x9d: {  	[timem:s7], [sflag:s22] =	dma.local [hbm:s5], s20  }
0x9e: {  	_ =	swait.ge [sflag:s22], s20  }
0x9f: {  	s4 =	ssub.s32 $0x0, s20;
	[sflag:s22] =	ssyncset.done $0x0  }
0xa0: {  	[sflag:s22] =	ssyncadd.s32 s4;
	_ =	sdelay $0x1  }
0xa1: {  	s23 =	simm.s32 $0x1B8B  }
0xa2: {  	_ =	swait.ge [sflag:s23], $0x1  }
0xa3: {  	[sflag:s23] =	ssyncset.done $0x0  }
0xa4: {  	s25 =	simm.s32 $0x1B8E;
	s24 =	sld [smem:$0x3FFE];
	[sflag:s23] =	ssyncadd.s32 $0xFFFFFFFF  }
0xa5: {  	s26 =	simm.s32 $execute0_lowered;
	[smem:$0x3FD2] =	sst s25  }
0xa6: {  	s5 =	sshll.u32 s26, $0x1;
	_ =	strace $0x8000004F;
	[dreg:$0x1] =	wrdreg $0xFFFFFFFF  }
0xa7: {  	s28 =	simm.s32 $_size_execute0_lowered;
	s3 =	sadd.s32 s3, s5;
	[dreg:$0x0] =	wrdreg $0x0  }
0xa8: {  	s5 =	sshll.u32 s28, $0x1;
	[dreg:$0x2] =	wrdreg s3  }
0xa9: {  	[dreg:$0x3] =	wrdreg s5  }
0xaa: {  	[dreg:$0x4] =	wrdreg $0xC0  }
0xab: {  	_ =	task [dreg:s7], $0x5FFFF  }
0xac: {  	[dreg:$0x1] =	wrdreg $0xFFFFFFFF  }
0xad: {  	[dreg:$0x0] =	wrdreg $0x60  }
0xae: {  	[dreg:$0x2] =	wrdreg s24  }
0xaf: {  	[dreg:$0x3] =	wrdreg s2  }
0xb0: {  	[dreg:$0x4] =	wrdreg $0x41000  }
0xb1: {  	[dreg:$0x5] =	wrdreg $0x9  }
0xb2: {  	_ =	task.clear_ibuf [dreg:s7], $0x6FFFF;
	_ =	strace $0x9000004F  }
0xb3: {  	s29 =	simm.s32 $0x9;
	_ =	strace $0x80000051  }
0xb4: {  	_ =	swait.ge [sflag:s29], $0x1  }
0xb5: {  	[sflag:s29] =	ssyncadd.s32 $0xFFFFFFFF  }
0xb6: {  	_ =	strace $0x90000051  }
0xb7: {  	_ =	sfence  }
0xb8: {  	s30 =	sld [smem:$0x0];
	_ =	sdelay $0x2  }
0xb9: {  	s31 =	sshll.u32 s1, $0xD;
	s1 =	sshrl.u32 s1, $0x2  }
0xba: {  	s3 =	sand.u32 $0x4000, s31;
	s1 =	sadd.s32 s1, s30  }
0xbb: {  	s0 =	sor.u32 s3, s0;
	s1 =	sshll.u32 s1, $0x11  }
0xbc: {  	s0 =	sor.u32 s1, s0  }
0xbd: {  	s0 =	sadd.s32 $0x8F2B, s0  }
0xbe: {  	[sflag:s0] =	ssyncadd.remote.s32 $0x1  }
0xbf: {  	_ =	sfence.sel $0xFFFF  }
0xc0: {  	[dreg:$0x0] =	wrdreg $0xFFFFFFFF;
	(pc) =	sbr.abs _section_cstart, $3  }
0xc1: {  	[dreg:$0x1] =	wrdreg $0xFFFFFFFF  }
0xc2: {  	_ =	task.clear_ibuf [dreg:s7], $0x2FFFF;
	_ =	strace $0x9FFFFFFF  }
0xc3: {  	(tm) =	ssettm $0x7FFFFFFF  }
tec
execute0_lowered:
.L_overlay_start_1:
0x0: {  	(tag) =	ssettag $0x1  }
0x1: {  	s10 =	rddreg [dreg:$0x0]  }
0x2: {  	s12 =	rddreg [dreg:$0x1]  }
0x3: {  	s2 =	rddreg [dreg:$0x2]  }
0x4: {  	s0 =	rddreg [dreg:$0x3]  }
0x5: {  	s4 =	srdreg.scid;
	s3 =	simm.s32 $0x0;
	s1 =	stileid.u32  }
0x6: {  	s14 =	simm.s32 $0x7D800;
	s19 =	simm.s32 $0x0;
	s6 =	smul.u32 $0x50000, s1  }
0x7: {  	s11 =	sand.u32 $0x1, s4;
	[smem:$0x7FF] =	sst s3;
	s13 =	smul.u32 $0x2800, s1  }
0x8: {  	s4 =	sadd.s32 $0x2D800, s10;
	s15 =	smul.u32 $0x13C0, s1;
	s17 =	sshll.u32 s1, $0x6  }
0x9: {  	s5 =	ssub.s32 $0x2, s11;
	_ =	strace $0x80000050;
	p0 =	seq.s32 s11, $0x1  }
0xa: {  	s16 =	smul.u32 $0x9E0, s11;
	s17 =	sor.u32 $0x1C02, s17;
	s7 =	sshrl.u32 s5, $0x1  }
0xb: {  	s31 =	sshrl.u32 s6, $0x2;
	s14 =	simm.s32 @!p0 $0x55800;
	s12 =	sadd.s32 s15, s12  }
0xc: {  	s15 =	simm.s32 $0x80;
	s7 =	ssub.s32 s5, s7;
	s5 =	sadd.s32 s31, s2  }
0xd: {  	s14 =	sadd.s32 s14, s10;
	s12 =	sadd.s32 s16, s12;
	s16 =	simm.s32 $0x1  }
0xe: {  	s6 =	smax.u32 s7, $0x1;
	s7 =	sadd.s32 $0x4000, s5;
	s8 =	sadd.s32 $0x8000, s5  }
0xf: {  	s9 =	sadd.s32 $0xC000, s5;
	s10 =	sadd.s32 $0x10000, s5;
	s11 =	sadd.s32 s14, s13  }
0x10: {  	v0 =	vimm.f32 $0.0e+00;
	s13 =	simm.s32 $0x100;
	s14 =	simm.s32 $0x2;
	s18 =	sshrl.u32 s5, $0x3  }
.LBB2_1:
0x11: {  	s20 =	simm.s32 $0x0;
	s21 =	simm.s32 $0x200  }
.LBB2_2:
0x12: {  	p0 =	sne.s32 s21, $0xFE00;
	[tilespmem:s20+$0x170] =	vst v0  }
0x13: {  	[tilespmem:s20+$0x100] =	vst v0  }
0x14: {  	[tilespmem:s20+$0x110] =	vst v0  }
.Ltmp0:
0x15: {  	[tilespmem:s20+$0x120] =	vst v0;
	(pc) =	sbr.rel @p0 .LBB2_2-.Ltmp0, $4  }
0x16: {  	[tilespmem:s20+$0x130] =	vst v0  }
0x17: {  	[tilespmem:s20+$0x140] =	vst v0  }
0x18: {  	[tilespmem:s20+$0x150] =	vst v0  }
0x19: {  	[tilespmem:s20+$0x160] =	vst v0;
	s20 =	sshra.s32 s21, $0x2;
	s21 =	sadd.s32 $0x200, s21  }
0x1a: {  	[tilespmem:s20+$0x170] =	vst v0  }
0x1b: {  	[tilespmem:s20+$0x100] =	vst v0  }
0x1c: {  	[tilespmem:s20+$0x110] =	vst v0  }
0x1d: {  	[tilespmem:s20+$0x120] =	vst v0  }
0x1e: {  	[tilespmem:s20+$0x130] =	vst v0  }
0x1f: {  	[tilespmem:s20+$0x140] =	vst v0  }
0x20: {  	[tilespmem:s20+$0x150] =	vst v0  }
0x21: {  	[tilespmem:s20+$0x160] =	vst v0  }
0x22: {  	[spmem:s5] =	stream.linear.scatter [tilespmem:s13], [sflag:$0x2], $0x4000, $0x38;
	[tilespmem:$0x18100] =	vst v63  }
0x23: {  	_ =	swait.ge [sflag:s14], $0x4000  }
0x24: {  	[sflag:s14] =	ssyncset.done $0x0  }
0x25: {  	[sflag:s14] =	ssyncadd.s32 $0xFFFFC000  }
0x26: {  	[spmem:s7] =	stream.linear.scatter [tilespmem:s13], [sflag:$0x2], $0x4000, $0x38;
	[tilespmem:$0x18100] =	vst v63  }
0x27: {  	_ =	swait.ge [sflag:s14], $0x4000  }
0x28: {  	[sflag:s14] =	ssyncset.done $0x0  }
0x29: {  	[sflag:s14] =	ssyncadd.s32 $0xFFFFC000  }
0x2a: {  	[spmem:s8] =	stream.linear.scatter [tilespmem:s13], [sflag:$0x2], $0x4000, $0x38;
	[tilespmem:$0x18100] =	vst v63  }
0x2b: {  	_ =	swait.ge [sflag:s14], $0x4000  }
0x2c: {  	[sflag:s14] =	ssyncset.done $0x0  }
0x2d: {  	[sflag:s14] =	ssyncadd.s32 $0xFFFFC000  }
0x2e: {  	[spmem:s9] =	stream.linear.scatter [tilespmem:s13], [sflag:$0x2], $0x4000, $0x38;
	[tilespmem:$0x18100] =	vst v63  }
0x2f: {  	_ =	swait.ge [sflag:s14], $0x4000  }
0x30: {  	[sflag:s14] =	ssyncset.done $0x0  }
0x31: {  	[sflag:s14] =	ssyncadd.s32 $0xFFFFC000  }
0x32: {  	[spmem:s10] =	stream.linear.scatter [tilespmem:s13], [sflag:$0x2], $0x4000, $0x38;
	[tilespmem:$0x18100] =	vst v63  }
0x33: {  	_ =	swait.ge [sflag:s14], $0x4000  }
0x34: {  	[sflag:s14] =	ssyncset.done $0x0  }
0x35: {  	[sflag:s14] =	ssyncadd.s32 $0xFFFFC000  }
0x36: {  	s31 =	sadd.s32 $0x0, s12;
	[bflag:$0x0] =	sbarrier.arrive $0xFFFF  }
0x37: {  	[tilespmem:s3], [sflag:$0x2] =	stream.linear.gather [hbm4b:s31+s3], $0x100, $0x38;
	[tilespmem:$0x18100] =	vst v63  }
0x38: {  	_ =	swait.ge [sflag:s14], $0x100  }
0x39: {  	[sflag:s14] =	ssyncset.done $0x0  }
0x3a: {  	[sflag:s14] =	ssyncadd.s32 $0xFFFFFF00  }
0x3b: {  	[tilespmem:s13], [sflag:$0x1] =	stream.indirect.gather [hbm4b:s4+s15], $0x80, s3, s15, $0xb8;
	[tilespmem:$0x18100] =	vst v63  }
0x3c: {  	_ =	swait.ge [sflag:s16], $0x4000  }
0x3d: {  	[sflag:s16] =	ssyncset.done $0x0  }
0x3e: {  	[sflag:s16] =	ssyncadd.s32 $0xFFFFC000  }
0x3f: {  	[spmem:s2] =	stream.indirect.scatter.add.f32 [tilespmem:s13], [sflag:$0x1], $0x80, s15, s15, $0xb8;
	[tilespmem:$0x18100] =	vst v63  }
0x40: {  	_ =	swait.ge [sflag:s16], $0x4000  }
0x41: {  	s20 =	simm.s32 $0x20;
	s21 =	simm.s32 $0x40;
	[sflag:s16] =	ssyncset.done $0x0  }
.LBB2_4:
0x42: {  	s22 =	sadd.s32 s20, s12  }
0x43: {  	[sflag:s16] =	ssyncadd.s32 $0xFFFFC000;
	s20 =	smov.u32 s21;
	s23 =	sadd.s32 $0x20, s21  }
0x44: {  	[tilespmem:s3], [sflag:$0x2] =	stream.linear.gather [hbm4b:s22+s3], $0x100, $0x38;
	[tilespmem:$0x18100] =	vst v63  }
0x45: {  	p0 =	sne.s32 s21, $0x9C0;
	_ =	swait.ge [sflag:s14], $0x100  }
0x46: {  	[sflag:s14] =	ssyncset.done $0x0  }
0x47: {  	[sflag:s14] =	ssyncadd.s32 $0xFFFFFF00  }
0x48: {  	[tilespmem:s13], [sflag:$0x1] =	stream.indirect.gather [hbm4b:s4+s15], $0x80, s3, s15, $0xb8;
	[tilespmem:$0x18100] =	vst v63  }
0x49: {  	_ =	swait.ge [sflag:s16], $0x4000  }
.Ltmp1:
0x4a: {  	[sflag:s16] =	ssyncset.done $0x0;
	(pc) =	sbr.rel @p0 .LBB2_4-.Ltmp1, $4  }
0x4b: {  	[sflag:s16] =	ssyncadd.s32 $0xFFFFC000  }
0x4c: {  	[spmem:s2] =	stream.indirect.scatter.add.f32 [tilespmem:s13], [sflag:$0x1], $0x80, s15, s15, $0xb8;
	[tilespmem:$0x18100] =	vst v63  }
0x4d: {  	_ =	swait.ge [sflag:s16], $0x4000  }
0x4e: {  	s21 =	smov.u32 s23;
	[sflag:s16] =	ssyncset.done $0x0  }
0x4f: {  	s20 =	sadd.s32 s20, s12;
	[sflag:s16] =	ssyncadd.s32 $0xFFFFC000  }
0x50: {  	[tilespmem:s3], [sflag:$0x2] =	stream.linear.gather [hbm4b:s20+s3], $0x100, $0x38;
	[tilespmem:$0x18100] =	vst v63  }
0x51: {  	_ =	swait.ge [sflag:s14], $0x100  }
0x52: {  	[sflag:s14] =	ssyncset.done $0x0  }
0x53: {  	[sflag:s14] =	ssyncadd.s32 $0xFFFFFF00  }
0x54: {  	[tilespmem:s13], [sflag:$0x1] =	stream.indirect.gather [hbm4b:s4+s15], $0x80, s3, s15, $0xb8;
	[tilespmem:$0x18100] =	vst v63  }
0x55: {  	_ =	swait.ge [sflag:s16], $0x4000  }
0x56: {  	[sflag:s16] =	ssyncset.done $0x0  }
0x57: {  	[sflag:s16] =	ssyncadd.s32 $0xFFFFC000  }
0x58: {  	[spmem:s2] =	stream.indirect.scatter.add.f32 [tilespmem:s13], [sflag:$0x1], $0x80, s15, s15, $0xb8;
	[tilespmem:$0x18100] =	vst v63  }
0x59: {  	_ =	swait.ge [sflag:s16], $0x4000  }
0x5a: {  	s19 =	sadd.s32 $0x1, s19;
	[sflag:s16] =	ssyncset.done $0x0  }
0x5b: {  	p0 =	sne.s32 s19, s6;
	[sflag:s16] =	ssyncadd.s32 $0xFFFFC000  }
.Ltmp2:
0x5c: {  	[bflag:$0x0] =	sbarrier.arrive $0xFFFF;
	(pc) =	sbr.rel @p0 .LBB2_1-.Ltmp2, $4  }
0x5d: {  	[hbm:s11], [sflag:s17] =	dma.local [spmem:s18], $0x2800  }
0x5e: {  	_ =	swait.ge [sflag:s14], $0x2800  }
0x5f: {  	[sflag:s14] =	ssyncset.done $0x0  }
0x60: {  	[sflag:s14] =	ssyncadd.s32 $0xFFFFD800  }
0x61: {  	_ =	sfence.sel $0x180000  }
0x62: {  	[bflag:$0x0] =	sbarrier.arrive $0xFFFF  }
0x63: {  	p0 =	sne.s32 s1, $0x0;
	_ =	strace $0x90000050  }
0x64: {  	s0 =	sadd.s32 @!p0 $0x100000, s0;
	[bflag:$0x2] =	sbarrier.arrive $0xFFFF  }
0x65: {  	[sflag:s0] =	ssyncadd.tile.s32 @!p0 $0x1;
	_ =	shalt  }
.Lfunc_end2:
_tile_overlayer_lowered:
.L_overlay_start_2:
0x66: {  	(tag) =	ssettag $0x2  }
0x67: {  	s0 =	rddreg [dreg:$0x0];
	s2 =	stileid.u32  }
0x68: {  	s1 =	rddreg [dreg:$0x1];
	p0 =	sne.s32 s2, $0x0  }
0x69: {  	s3 =	rddreg [dreg:$0x2];
	[bflag:$0x3] =	sbarrier.arrive $0xFFFF;
	s2 =	simm.s32 @!p0 $0x1C02  }
0x6a: {  	[timem:s3], [sflag:s2] =	dma.local @!p0 [hbm:s0], s1  }
0x6b: {  	s0 =	simm.s32 @!p0 $0x2  }
0x6c: {  	_ =	swait.ge @!p0 [sflag:s0], s1  }
0x6d: {  	s1 =	ssub.s32 @!p0 $0x0, s1;
	[sflag:s0] =	ssyncset.done @!p0 $0x0  }
0x6e: {  	[sflag:s0] =	ssyncadd.s32 @!p0 s1  }
0x6f: {  	[bflag:$0x3] =	sbarrier.arrive $0xFFFF  }
0x70: {  	_ =	shalt  }

// kernel: kernel.25.cloned.1.call-start
scs
__scs_entry_jumppad:
0x0: {  	(pc) =	sbr.rel $0x88, $3  }
0x1: {  	(tag) =	ssettag $0x0;
	lr =	simm.s32 $0x1  }
0x2: {  	[smem:$0x3F97] =	sst lr;
	_ =	strace $0xD0000000  }
0x3: {  	_ = 	snop  }
0x4: {  	_ = 	snop  }
0x5: {  	_ = 	snop  }
0x6: {  	_ = 	snop  }
0x7: {  	_ = 	snop  }
__scs_overlays_trampoline_lowered:
0x8: {  	[smem:$0x3FA6] =	sst s0  }
0x9: {  	[smem:$0x3FA7] =	sst s1  }
0xa: {  	[smem:$0x3FA8] =	sst s2  }
0xb: {  	[smem:$0x3FA9] =	sst s3  }
0xc: {  	[smem:$0x3FAA] =	sst s4  }
0xd: {  	[smem:$0x3FAB] =	sst s5  }
0xe: {  	[smem:$0x3FAC] =	sst s6  }
0xf: {  	[smem:$0x3FAD] =	sst s7  }
0x10: {  	[smem:$0x3FAE] =	sst s8  }
0x11: {  	[smem:$0x3FAF] =	sst s9;
	s0 =	simm.s32 @!p0 $0x0  }
0x12: {  	s1 =	sld [smem:$0x3F95];
	s0 =	simm.s32 @p0 $0x1  }
0x13: {  	[smem:$0x3FB0] =	sst s0;
	s0 =	simm.s32 @!p1 $0x0  }
0x14: {  	s2 =	sld [smem:$0x3F94];
	s0 =	simm.s32 @p1 $0x1  }
0x15: {  	[smem:$0x3FB1] =	sst s0;
	s0 =	simm.s32 @!p2 $0x0  }
0x16: {  	s3 =	sld [smem:$0x3FDB];
	s0 =	simm.s32 @p2 $0x1  }
0x17: {  	s4 =	simm.s32 $0x1BF5;
	[smem:$0x3FB3] =	sst s0  }
0x18: {  	s0 =	sld [smem:$0x3F96];
	_ =	swait.ge [sflag:s4], $0x0  }
0x19: {  	s7 =	sld [smem:$0x3F97]  }
0x1a: {  	s8 =	sadd.s32 $0xFFFFE003, lr  }
0x1b: {  	s9 =	sadd.s32 $0xFFFFFEF7, lr;
	s5 =	simm.s32 $0xFFFFFFFF;
	p2 =	slt.u32 s8, $0xFFFFF086  }
0x1c: {  	p1 =	slt.u32 s9, $0xF7A;
	s5 =	simm.s32 @!p2 $0x0  }
0x1d: {  	s5 =	simm.s32 @p1 $0x1;
	p0 =	seq.s32 s7, s2  }
0x1e: {  	s7 =	smul.u32 @!p0 $0xF7A, s2;
	p2 =	seq.s32 @!p0 s5, $0x0  }
0x1f: {  	s9 =	smul.u32 $0xF7A, s1;
	s8 =	simm.s32 @!p0 $0x1BF5;
	p2 =	por !p2, p0  }
0x20: {  	[sflag:s8] =	ssyncset.s32 @!p0 $0xFFFFF086;
	s6 =	sadd.s32 @!p0 s3, s7;
	s7 =	simm.s32 @!p0 $0x108  }
0x21: {  	s3 =	sadd.s32 s3, s9;
	s6 =	sadd.s32 @!p0 $0x88, s6;
	s7 =	simm.s32 @p2 $0x1082  }
0x22: {  	[simem:s7], [sflag:s8] =	dma.local @!p0 [hbm:s6], $0xF7A  }
0x23: {  	s9 =	sor.u32 $0xD0000000, s2;
	s6 =	simm.s32 $0x108;
	_ =	swait.ge @!p0 [sflag:s8], $0x0  }
0x24: {  	s3 =	sadd.s32 $0x88, s3;
	s6 =	simm.s32 @!p1 $0x1082;
	[sflag:s4] =	ssyncset.s32 $0xFFFFF086  }
0x25: {  	[simem:s6], [sflag:s4] =	dma.local [hbm:s3], $0xF7A  }
0x26: {  	[smem:$0x3F97] =	sst s1;
	(tag) =	ssettag s2;
	_ =	strace s9  }
0x27: {  	s1 =	sld [smem:$0x3FA7]  }
0x28: {  	s2 =	sld [smem:$0x3FA8]  }
0x29: {  	s4 =	sld [smem:$0x3FAA]  }
0x2a: {  	p0 =	seq.s32 s5, $0x0;
	s5 =	sld [smem:$0x3FAB]  }
0x2b: {  	s6 =	sld [smem:$0x3FAC]  }
0x2c: {  	s7 =	sld [smem:$0x3FAD]  }
0x2d: {  	s3 =	simm.s32 $0x108;
	s8 =	sld [smem:$0x3FAE]  }
0x2e: {  	s3 =	simm.s32 @!p0 $0x1082;
	s9 =	sld [smem:$0x3FAF]  }
0x2f: {  	lr =	sadd.s32 s0, s3;
	s0 =	sld [smem:$0x3FA6]  }
0x30: {  	s3 =	sld [smem:$0x3FA9]  }
0x31: {  	[smem:$0x3FB2] =	sst s10  }
0x32: {  	s10 =	sld [smem:$0x3FB0];
	_ =	sdelay $0x3  }
0x33: {  	p0 =	seq.s32 s10, $0x1;
	s10 =	sld [smem:$0x3FB2];
	_ =	sdelay $0x3  }
0x34: {  	[smem:$0x3FB2] =	sst s10  }
0x35: {  	s10 =	sld [smem:$0x3FB1];
	_ =	sdelay $0x3  }
0x36: {  	p1 =	seq.s32 s10, $0x1;
	s10 =	sld [smem:$0x3FB2];
	_ =	sdelay $0x3  }
0x37: {  	[smem:$0x3FB2] =	sst s10  }
0x38: {  	s10 =	sld [smem:$0x3FB3]  }
0x39: {  	_ = 	snop;
	(pc) =	sbr.ind lr, $3  }
0x3a: {  	_ = 	snop  }
0x3b: {  	_ = 	snop  }
0x3c: {  	p2 =	seq.s32 s10, $0x1;
	s10 =	sld [smem:$0x3FB2]  }
0x3d: {  	_ =	shalt  }
0x3e: {  	_ =	shalt  }
0x3f: {  	_ =	shalt  }
0x40: {  	_ =	shalt  }
0x41: {  	_ =	shalt  }
0x42: {  	_ =	shalt  }
0x43: {  	_ =	shalt  }
0x44: {  	_ =	shalt  }
0x45: {  	_ =	shalt  }
0x46: {  	_ =	shalt  }
0x47: {  	_ =	shalt  }
0x48: {  	_ =	shalt  }
0x49: {  	_ =	shalt  }
0x4a: {  	_ =	shalt  }
0x4b: {  	_ =	shalt  }
0x4c: {  	_ =	shalt  }
0x4d: {  	_ =	shalt  }
0x4e: {  	_ =	shalt  }
0x4f: {  	_ =	shalt  }
0x50: {  	_ =	shalt  }
0x51: {  	_ =	shalt  }
0x52: {  	_ =	shalt  }
0x53: {  	_ =	shalt  }
0x54: {  	_ =	shalt  }
0x55: {  	_ =	shalt  }
0x56: {  	_ =	shalt  }
0x57: {  	_ =	shalt  }
0x58: {  	_ =	shalt  }
0x59: {  	_ =	shalt  }
0x5a: {  	_ =	shalt  }
0x5b: {  	_ =	shalt  }
0x5c: {  	_ =	shalt  }
0x5d: {  	_ =	shalt  }
0x5e: {  	_ =	shalt  }
0x5f: {  	_ =	shalt  }
0x60: {  	_ =	shalt  }
0x61: {  	_ =	shalt  }
0x62: {  	_ =	shalt  }
0x63: {  	_ =	shalt  }
0x64: {  	_ =	shalt  }
0x65: {  	_ =	shalt  }
0x66: {  	_ =	shalt  }
0x67: {  	_ =	shalt  }
0x68: {  	_ =	shalt  }
0x69: {  	_ =	shalt  }
0x6a: {  	_ =	shalt  }
0x6b: {  	_ =	shalt  }
0x6c: {  	_ =	shalt  }
0x6d: {  	_ =	shalt  }
0x6e: {  	_ =	shalt  }
0x6f: {  	_ =	shalt  }
0x70: {  	_ =	shalt  }
0x71: {  	_ =	shalt  }
0x72: {  	_ =	shalt  }
0x73: {  	_ =	shalt  }
0x74: {  	_ =	shalt  }
0x75: {  	_ =	shalt  }
0x76: {  	_ =	shalt  }
0x77: {  	_ =	shalt  }
0x78: {  	_ =	shalt  }
0x79: {  	_ =	shalt  }
0x7a: {  	_ =	shalt  }
0x7b: {  	_ =	shalt  }
0x7c: {  	_ =	shalt  }
0x7d: {  	_ =	shalt  }
0x7e: {  	_ =	shalt  }
0x7f: {  	_ =	shalt  }
0x80: {  	_ =	shalt  }
0x81: {  	_ =	shalt  }
0x82: {  	_ =	shalt  }
0x83: {  	_ =	shalt  }
0x84: {  	_ =	shalt  }
0x85: {  	_ =	shalt  }
0x86: {  	_ =	shalt  }
0x87: {  	_ =	shalt  }
.Lfunc_end0:
.L_simem_size_0:
called_computation.4_lowered:
.L_overlay_start_0:
0x88: {  	s2 =	sld [smem:$0x3FD9]  }
0x89: {  	s3 =	sld [smem:$0x3FFE];
	_ =	sdelay $0x1  }
0x8a: {  	s1 =	srdreg.scid  }
0x8b: {  	s0 =	sand.u32 $0x1, s1  }
0x8c: {  	s17 =	sshll.u32 s0, $0xA;
	s2 =	sadd.s32 s3, s2  }
0x8d: {  	s2 =	sadd.s32 s2, s17  }
0x8e: {  	[smem:$0x3FBE] =	sst s2  }
0x8f: {  	_ = 	snop  }
0x90: {  	s2 =	sld [smem:$0x3FD0];
	(tm) =	ssettm $0x1  }
0x91: {  	s18 =	sld [smem:$0x3FFB];
	_ =	sdelay $0x3  }
0x92: {  	_ =	strace s18  }
0x93: {  	s3 =	sld [smem:$0x3FFC];
	_ =	sdelay $0x3  }
0x94: {  	_ =	strace s3  }
0x95: {  	s3 =	sld [smem:$0x3FFD];
	_ =	sdelay $0x3  }
0x96: {  	_ =	strace s3  }
0x97: {  	_ =	strace $0x8FFFFFFF  }
0x98: {  	s19 =	sld [smem:$0x3FDB];
	_ =	sdelay $0x1  }
0x99: {  	s4 =	simm.s32 $_scs_section_size  }
0x9a: {  	s5 =	simm.s32 $_size__tile_overlayer_lowered;
	s6 =	simm.s32 $_tile_overlayer_lowered  }
0x9b: {  	s22 =	simm.s32 $0x1BFF;
	s21 =	sshll.u32 s6, $0x1;
	s3 =	sadd.s32 s4, s19  }
0x9c: {  	s7 =	simm.s32 $0x0;
	s20 =	sshll.u32 s5, $0x1;
	s5 =	sadd.s32 s21, s3  }
0x9d: {  	[timem:s7], [sflag:s22] =	dma.local [hbm:s5], s20  }
0x9e: {  	_ =	swait.ge [sflag:s22], s20  }
0x9f: {  	s4 =	ssub.s32 $0x0, s20;
	[sflag:s22] =	ssyncset.done $0x0  }
0xa0: {  	[sflag:s22] =	ssyncadd.s32 s4;
	_ =	sdelay $0x1  }
0xa1: {  	s23 =	simm.s32 $0x1B8B  }
0xa2: {  	_ =	swait.ge [sflag:s23], $0x1  }
0xa3: {  	[sflag:s23] =	ssyncset.done $0x0  }
0xa4: {  	s25 =	simm.s32 $0x1B8E;
	s24 =	sld [smem:$0x3FFE];
	[sflag:s23] =	ssyncadd.s32 $0xFFFFFFFF  }
0xa5: {  	s26 =	simm.s32 $execute0_lowered;
	[smem:$0x3FD2] =	sst s25  }
0xa6: {  	s5 =	sshll.u32 s26, $0x1;
	_ =	strace $0x80000052;
	[dreg:$0x1] =	wrdreg $0xFFFFFFFF  }
0xa7: {  	s28 =	simm.s32 $_size_execute0_lowered;
	s3 =	sadd.s32 s3, s5;
	[dreg:$0x0] =	wrdreg $0x0  }
0xa8: {  	s5 =	sshll.u32 s28, $0x1;
	[dreg:$0x2] =	wrdreg s3  }
0xa9: {  	[dreg:$0x3] =	wrdreg s5  }
0xaa: {  	[dreg:$0x4] =	wrdreg $0xC0  }
0xab: {  	_ =	task [dreg:s7], $0x5FFFF  }
0xac: {  	[dreg:$0x1] =	wrdreg $0xFFFFFFFF  }
0xad: {  	[dreg:$0x0] =	wrdreg $0x60  }
0xae: {  	[dreg:$0x2] =	wrdreg s24  }
0xaf: {  	[dreg:$0x3] =	wrdreg s2  }
0xb0: {  	[dreg:$0x4] =	wrdreg $0x41000  }
0xb1: {  	[dreg:$0x5] =	wrdreg $0x9  }
0xb2: {  	_ =	task.clear_ibuf [dreg:s7], $0x6FFFF;
	_ =	strace $0x90000052  }
0xb3: {  	s29 =	simm.s32 $0x9;
	_ =	strace $0x80000054  }
0xb4: {  	_ =	swait.ge [sflag:s29], $0x1  }
0xb5: {  	[sflag:s29] =	ssyncadd.s32 $0xFFFFFFFF  }
0xb6: {  	_ =	strace $0x90000054  }
0xb7: {  	_ =	sfence  }
0xb8: {  	s30 =	sld [smem:$0x0];
	_ =	sdelay $0x2  }
0xb9: {  	s31 =	sshll.u32 s1, $0xD;
	s1 =	sshrl.u32 s1, $0x2  }
0xba: {  	s3 =	sand.u32 $0x4000, s31;
	s1 =	sadd.s32 s1, s30  }
0xbb: {  	s0 =	sor.u32 s3, s0;
	s1 =	sshll.u32 s1, $0x11  }
0xbc: {  	s0 =	sor.u32 s1, s0  }
0xbd: {  	s0 =	sadd.s32 $0x8F2B, s0  }
0xbe: {  	[sflag:s0] =	ssyncadd.remote.s32 $0x1  }
0xbf: {  	_ =	sfence.sel $0xFFFF  }
0xc0: {  	[dreg:$0x0] =	wrdreg $0xFFFFFFFF;
	(pc) =	sbr.abs _section_cstart, $3  }
0xc1: {  	[dreg:$0x1] =	wrdreg $0xFFFFFFFF  }
0xc2: {  	_ =	task.clear_ibuf [dreg:s7], $0x2FFFF;
	_ =	strace $0x9FFFFFFF  }
0xc3: {  	(tm) =	ssettm $0x7FFFFFFF  }
tec
execute0_lowered:
.L_overlay_start_1:
0x0: {  	(tag) =	ssettag $0x1  }
0x1: {  	s10 =	rddreg [dreg:$0x0]  }
0x2: {  	s12 =	rddreg [dreg:$0x1]  }
0x3: {  	s2 =	rddreg [dreg:$0x2]  }
0x4: {  	s0 =	rddreg [dreg:$0x3]  }
0x5: {  	s4 =	srdreg.scid;
	s3 =	simm.s32 $0x0;
	s1 =	stileid.u32  }
0x6: {  	s14 =	simm.s32 $0x7D800;
	s19 =	simm.s32 $0x0;
	s6 =	smul.u32 $0x50000, s1  }
0x7: {  	s11 =	sand.u32 $0x1, s4;
	[smem:$0x7FF] =	sst s3;
	s13 =	smul.u32 $0x2800, s1  }
0x8: {  	s4 =	sadd.s32 $0x2D800, s10;
	s15 =	smul.u32 $0x13C0, s1;
	s17 =	sshll.u32 s1, $0x6  }
0x9: {  	s5 =	ssub.s32 $0x2, s11;
	_ =	strace $0x80000053;
	p0 =	seq.s32 s11, $0x1  }
0xa: {  	s16 =	smul.u32 $0x9E0, s11;
	s17 =	sor.u32 $0x1C02, s17;
	s7 =	sshrl.u32 s5, $0x1  }
0xb: {  	s31 =	sshrl.u32 s6, $0x2;
	s14 =	simm.s32 @!p0 $0x55800;
	s12 =	sadd.s32 s15, s12  }
0xc: {  	s15 =	simm.s32 $0x80;
	s7 =	ssub.s32 s5, s7;
	s5 =	sadd.s32 s31, s2  }
0xd: {  	s14 =	sadd.s32 s14, s10;
	s12 =	sadd.s32 s16, s12;
	s16 =	simm.s32 $0x1  }
0xe: {  	s6 =	smax.u32 s7, $0x1;
	s7 =	sadd.s32 $0x4000, s5;
	s8 =	sadd.s32 $0x8000, s5  }
0xf: {  	s9 =	sadd.s32 $0xC000, s5;
	s10 =	sadd.s32 $0x10000, s5;
	s11 =	sadd.s32 s14, s13  }
0x10: {  	v0 =	vimm.f32 $0.0e+00;
	s13 =	simm.s32 $0x100;
	s14 =	simm.s32 $0x2;
	s18 =	sshrl.u32 s5, $0x3  }
.LBB2_1:
0x11: {  	s20 =	simm.s32 $0x0;
	s21 =	simm.s32 $0x200  }
.LBB2_2:
0x12: {  	p0 =	sne.s32 s21, $0xFE00;
	[tilespmem:s20+$0x170] =	vst v0  }
0x13: {  	[tilespmem:s20+$0x100] =	vst v0  }
0x14: {  	[tilespmem:s20+$0x110] =	vst v0  }
.Ltmp0:
0x15: {  	[tilespmem:s20+$0x120] =	vst v0;
	(pc) =	sbr.rel @p0 .LBB2_2-.Ltmp0, $4  }
0x16: {  	[tilespmem:s20+$0x130] =	vst v0  }
0x17: {  	[tilespmem:s20+$0x140] =	vst v0  }
0x18: {  	[tilespmem:s20+$0x150] =	vst v0  }
0x19: {  	[tilespmem:s20+$0x160] =	vst v0;
	s20 =	sshra.s32 s21, $0x2;
	s21 =	sadd.s32 $0x200, s21  }
0x1a: {  	[tilespmem:s20+$0x170] =	vst v0  }
0x1b: {  	[tilespmem:s20+$0x100] =	vst v0  }
0x1c: {  	[tilespmem:s20+$0x110] =	vst v0  }
0x1d: {  	[tilespmem:s20+$0x120] =	vst v0  }
0x1e: {  	[tilespmem:s20+$0x130] =	vst v0  }
0x1f: {  	[tilespmem:s20+$0x140] =	vst v0  }
0x20: {  	[tilespmem:s20+$0x150] =	vst v0  }
0x21: {  	[tilespmem:s20+$0x160] =	vst v0  }
0x22: {  	[spmem:s5] =	stream.linear.scatter [tilespmem:s13], [sflag:$0x2], $0x4000, $0x38;
	[tilespmem:$0x18100] =	vst v63  }
0x23: {  	_ =	swait.ge [sflag:s14], $0x4000  }
0x24: {  	[sflag:s14] =	ssyncset.done $0x0  }
0x25: {  	[sflag:s14] =	ssyncadd.s32 $0xFFFFC000  }
0x26: {  	[spmem:s7] =	stream.linear.scatter [tilespmem:s13], [sflag:$0x2], $0x4000, $0x38;
	[tilespmem:$0x18100] =	vst v63  }
0x27: {  	_ =	swait.ge [sflag:s14], $0x4000  }
0x28: {  	[sflag:s14] =	ssyncset.done $0x0  }
0x29: {  	[sflag:s14] =	ssyncadd.s32 $0xFFFFC000  }
0x2a: {  	[spmem:s8] =	stream.linear.scatter [tilespmem:s13], [sflag:$0x2], $0x4000, $0x38;
	[tilespmem:$0x18100] =	vst v63  }
0x2b: {  	_ =	swait.ge [sflag:s14], $0x4000  }
0x2c: {  	[sflag:s14] =	ssyncset.done $0x0  }
0x2d: {  	[sflag:s14] =	ssyncadd.s32 $0xFFFFC000  }
0x2e: {  	[spmem:s9] =	stream.linear.scatter [tilespmem:s13], [sflag:$0x2], $0x4000, $0x38;
	[tilespmem:$0x18100] =	vst v63  }
0x2f: {  	_ =	swait.ge [sflag:s14], $0x4000  }
0x30: {  	[sflag:s14] =	ssyncset.done $0x0  }
0x31: {  	[sflag:s14] =	ssyncadd.s32 $0xFFFFC000  }
0x32: {  	[spmem:s10] =	stream.linear.scatter [tilespmem:s13], [sflag:$0x2], $0x4000, $0x38;
	[tilespmem:$0x18100] =	vst v63  }
0x33: {  	_ =	swait.ge [sflag:s14], $0x4000  }
0x34: {  	[sflag:s14] =	ssyncset.done $0x0  }
0x35: {  	[sflag:s14] =	ssyncadd.s32 $0xFFFFC000  }
0x36: {  	s31 =	sadd.s32 $0x0, s12;
	[bflag:$0x0] =	sbarrier.arrive $0xFFFF  }
0x37: {  	[tilespmem:s3], [sflag:$0x2] =	stream.linear.gather [hbm4b:s31+s3], $0x100, $0x38;
	[tilespmem:$0x18100] =	vst v63  }
0x38: {  	_ =	swait.ge [sflag:s14], $0x100  }
0x39: {  	[sflag:s14] =	ssyncset.done $0x0  }
0x3a: {  	[sflag:s14] =	ssyncadd.s32 $0xFFFFFF00  }
0x3b: {  	[tilespmem:s13], [sflag:$0x1] =	stream.indirect.gather [hbm4b:s4+s15], $0x80, s3, s15, $0xb8;
	[tilespmem:$0x18100] =	vst v63  }
0x3c: {  	_ =	swait.ge [sflag:s16], $0x4000  }
0x3d: {  	[sflag:s16] =	ssyncset.done $0x0  }
0x3e: {  	[sflag:s16] =	ssyncadd.s32 $0xFFFFC000  }
0x3f: {  	[spmem:s2] =	stream.indirect.scatter.add.f32 [tilespmem:s13], [sflag:$0x1], $0x80, s15, s15, $0xb8;
	[tilespmem:$0x18100] =	vst v63  }
0x40: {  	_ =	swait.ge [sflag:s16], $0x4000  }
0x41: {  	s20 =	simm.s32 $0x20;
	s21 =	simm.s32 $0x40;
	[sflag:s16] =	ssyncset.done $0x0  }
.LBB2_4:
0x42: {  	s22 =	sadd.s32 s20, s12  }
0x43: {  	[sflag:s16] =	ssyncadd.s32 $0xFFFFC000;
	s20 =	smov.u32 s21;
	s23 =	sadd.s32 $0x20, s21  }
0x44: {  	[tilespmem:s3], [sflag:$0x2] =	stream.linear.gather [hbm4b:s22+s3], $0x100, $0x38;
	[tilespmem:$0x18100] =	vst v63  }
0x45: {  	p0 =	sne.s32 s21, $0x9C0;
	_ =	swait.ge [sflag:s14], $0x100  }
0x46: {  	[sflag:s14] =	ssyncset.done $0x0  }
0x47: {  	[sflag:s14] =	ssyncadd.s32 $0xFFFFFF00  }
0x48: {  	[tilespmem:s13], [sflag:$0x1] =	stream.indirect.gather [hbm4b:s4+s15], $0x80, s3, s15, $0xb8;
	[tilespmem:$0x18100] =	vst v63  }
0x49: {  	_ =	swait.ge [sflag:s16], $0x4000  }
.Ltmp1:
0x4a: {  	[sflag:s16] =	ssyncset.done $0x0;
	(pc) =	sbr.rel @p0 .LBB2_4-.Ltmp1, $4  }
0x4b: {  	[sflag:s16] =	ssyncadd.s32 $0xFFFFC000  }
0x4c: {  	[spmem:s2] =	stream.indirect.scatter.add.f32 [tilespmem:s13], [sflag:$0x1], $0x80, s15, s15, $0xb8;
	[tilespmem:$0x18100] =	vst v63  }
0x4d: {  	_ =	swait.ge [sflag:s16], $0x4000  }
0x4e: {  	s21 =	smov.u32 s23;
	[sflag:s16] =	ssyncset.done $0x0  }
0x4f: {  	s20 =	sadd.s32 s20, s12;
	[sflag:s16] =	ssyncadd.s32 $0xFFFFC000  }
0x50: {  	[tilespmem:s3], [sflag:$0x2] =	stream.linear.gather [hbm4b:s20+s3], $0x100, $0x38;
	[tilespmem:$0x18100] =	vst v63  }
0x51: {  	_ =	swait.ge [sflag:s14], $0x100  }
0x52: {  	[sflag:s14] =	ssyncset.done $0x0  }
0x53: {  	[sflag:s14] =	ssyncadd.s32 $0xFFFFFF00  }
0x54: {  	[tilespmem:s13], [sflag:$0x1] =	stream.indirect.gather [hbm4b:s4+s15], $0x80, s3, s15, $0xb8;
	[tilespmem:$0x18100] =	vst v63  }
0x55: {  	_ =	swait.ge [sflag:s16], $0x4000  }
0x56: {  	[sflag:s16] =	ssyncset.done $0x0  }
0x57: {  	[sflag:s16] =	ssyncadd.s32 $0xFFFFC000  }
0x58: {  	[spmem:s2] =	stream.indirect.scatter.add.f32 [tilespmem:s13], [sflag:$0x1], $0x80, s15, s15, $0xb8;
	[tilespmem:$0x18100] =	vst v63  }
0x59: {  	_ =	swait.ge [sflag:s16], $0x4000  }
0x5a: {  	s19 =	sadd.s32 $0x1, s19;
	[sflag:s16] =	ssyncset.done $0x0  }
0x5b: {  	p0 =	sne.s32 s19, s6;
	[sflag:s16] =	ssyncadd.s32 $0xFFFFC000  }
.Ltmp2:
0x5c: {  	[bflag:$0x0] =	sbarrier.arrive $0xFFFF;
	(pc) =	sbr.rel @p0 .LBB2_1-.Ltmp2, $4  }
0x5d: {  	[hbm:s11], [sflag:s17] =	dma.local [spmem:s18], $0x2800  }
0x5e: {  	_ =	swait.ge [sflag:s14], $0x2800  }
0x5f: {  	[sflag:s14] =	ssyncset.done $0x0  }
0x60: {  	[sflag:s14] =	ssyncadd.s32 $0xFFFFD800  }
0x61: {  	_ =	sfence.sel $0x180000  }
0x62: {  	[bflag:$0x0] =	sbarrier.arrive $0xFFFF  }
0x63: {  	p0 =	sne.s32 s1, $0x0;
	_ =	strace $0x90000053  }
0x64: {  	s0 =	sadd.s32 @!p0 $0x100000, s0;
	[bflag:$0x2] =	sbarrier.arrive $0xFFFF  }
0x65: {  	[sflag:s0] =	ssyncadd.tile.s32 @!p0 $0x1;
	_ =	shalt  }
.Lfunc_end2:
_tile_overlayer_lowered:
.L_overlay_start_2:
0x66: {  	(tag) =	ssettag $0x2  }
0x67: {  	s0 =	rddreg [dreg:$0x0];
	s2 =	stileid.u32  }
0x68: {  	s1 =	rddreg [dreg:$0x1];
	p0 =	sne.s32 s2, $0x0  }
0x69: {  	s3 =	rddreg [dreg:$0x2];
	[bflag:$0x3] =	sbarrier.arrive $0xFFFF;
	s2 =	simm.s32 @!p0 $0x1C02  }
0x6a: {  	[timem:s3], [sflag:s2] =	dma.local @!p0 [hbm:s0], s1  }
0x6b: {  	s0 =	simm.s32 @!p0 $0x2  }
0x6c: {  	_ =	swait.ge @!p0 [sflag:s0], s1  }
0x6d: {  	s1 =	ssub.s32 @!p0 $0x0, s1;
	[sflag:s0] =	ssyncset.done @!p0 $0x0  }
0x6e: {  	[sflag:s0] =	ssyncadd.s32 @!p0 s1  }
0x6f: {  	[bflag:$0x3] =	sbarrier.arrive $0xFFFF  }
0x70: {  	_ =	shalt  }

</sc_bundles>
